<compile_context>
chip_gen: v7x
topology: tpu7x:2x2x1
jax: 0.10.2.dev20260603
libtpu: 0.0.44.dev20260713+nightly
codegen_flags: <defaults>
</compile_context>

<pallas_src>
import jax
import jax.numpy as jnp
from jax.experimental import pallas as pl
from jax.experimental.pallas import tpu as pltpu
from jax.experimental.pallas import tpu_sc as plsc

NB = 16
NF = 4096
NC = 64
OUT_W = 7
LANES = 16
CF = 512
NCHAIN = 8
CLEN = NC // NCHAIN


def _sc_powerset(x2d, map_flat):
    mesh = plsc.VectorSubcoreMesh(core_axis_name="c", subcore_axis_name="s")

    @pl.kernel(
        out_type=jax.ShapeDtypeStruct((OUT_W, NB, NF), jnp.float32),
        mesh=mesh,
        scratch_types=[
            pltpu.VMEM((NC * OUT_W,), jnp.float32),
            pltpu.SemaphoreType.DMA,
        ],
        compiler_params=pltpu.CompilerParams(
            needs_layout_passes=False, skip_device_barrier=True
        ),
    )
    def k(x_hbm, map_hbm, out_hbm, map_v, sem):
        pltpu.async_copy(map_hbm, map_v, sem).wait()

        iota = jax.lax.iota(jnp.int32, LANES)

        def body(in_v, out_v):
            def emit_group(g):
                base = g * LANES
                sl = pl.ds(base, LANES)
                bests, bidxs = [], []
                for kk in range(NCHAIN):
                    c0 = kk * CLEN
                    bv = in_v[c0, sl]
                    bi = jnp.full((LANES,), c0, jnp.int32)
                    for c in range(c0 + 1, c0 + CLEN):
                        v = in_v[c, sl]
                        m = v > bv
                        bv = jnp.where(m, v, bv)
                        bi = jnp.where(m, c, bi)
                    bests.append(bv)
                    bidxs.append(bi)
                best, bidx = bests[0], bidxs[0]
                for kk in range(1, NCHAIN):
                    m = bests[kk] > best
                    best = jnp.where(m, bests[kk], best)
                    bidx = jnp.where(m, bidxs[kk], bidx)
                for j in range(OUT_W):
                    vals = plsc.load_gather(map_v, [bidx + j * NC])
                    out_v[j, 0, sl] = vals

            @pl.loop(0, CF // LANES)
            def _(g):
                emit_group(g)

        ncol = NF // CF
        pltpu.emit_pipeline(
            body,
            grid=(NB * ncol,),
            in_specs=[
                pl.BlockSpec((NC, CF), lambda i: (i // ncol, i % ncol)),
            ],
            out_specs=[
                pl.BlockSpec((OUT_W, 1, CF), lambda i: (0, i // ncol, i % ncol)),
            ],
            core_axis_name=("c", "s"),
            dimension_semantics=(pltpu.PARALLEL,),
        )(x_hbm, out_hbm)

    return k(x2d, map_flat)


@jax.jit
def kernel(powerset, mapping):
    x2d = powerset.transpose(0, 2, 1).reshape(NB * NC, NF)
    map_flat = mapping.T.reshape(-1)
    out = _sc_powerset(x2d, map_flat)
    return out.transpose(1, 2, 0)

# --- scband reference (transcript-rebuilt; emitter-appended) ---
"""Pipeline reference for scband-powerset-23622320128320 (READ-ONLY COPY).

The authoritative reference and input builder live on the scoring server;
editing this copy changes nothing except your own understanding.
"""

import jax, jax.numpy as jnp
import numpy as np
from itertools import combinations

NUM_CLASSES = 7
MAX_SET_SIZE = 3


def _build_mapping(num_classes, max_set_size):
    rows = []
    for set_size in range(0, max_set_size + 1):
        for current_set in combinations(range(num_classes), set_size):
            row = np.zeros((num_classes,), dtype=np.float32)
            for c in current_set:
                row[c] = 1.0
            rows.append(row)
    return jnp.asarray(np.stack(rows, axis=0))


def setup_inputs(seed: int = 0) -> dict:
    key = jax.random.key(seed)
    powerset = jax.random.normal(key, (16, 4096, 64), dtype=jnp.float32)
    mapping = _build_mapping(NUM_CLASSES, MAX_SET_SIZE)  # [64, 7]
    return {"powerset": powerset, "mapping": mapping}


def reference(powerset, mapping):
    # hard powerset decision per frame, then project back to multi-label space
    num_powerset_classes = mapping.shape[0]
    hard_powerset = jax.nn.one_hot(
        jnp.argmax(powerset, axis=-1), num_powerset_classes, dtype=jnp.float32
    )
    return jnp.matmul(hard_powerset, mapping)

if __name__ == "__main__":
    import jax
    _d = setup_inputs()
    print(jax.jit(kernel)(*tuple(_d.values())))

</pallas_src>

<mosaic_0001>
#map = affine_map<(d0, d1) -> (0, 0)>
#map1 = affine_map<(d0, d1) -> (0)>
#map2 = affine_map<(d0, d1) -> (0, 0, 0)>
module attributes {stable_mosaic.version = 14 : i64} {
  func.func @k(%arg0: i32, %arg1: i32, %arg2: memref<1024x4096xf32, #tpu.memory_space<hbm>>, %arg3: memref<448xf32, #tpu.memory_space<hbm>>, %arg4: memref<7x16x4096xf32, #tpu.memory_space<hbm>>, %arg5: memref<448xf32, #tpu.memory_space<vmem>>, %arg6: memref<!tpu.dma_semaphore, #tpu.memory_space<semaphore_mem>>) attributes {dimension_semantics = [#tpu.dimension_semantics<core_parallel>, #tpu.dimension_semantics<subcore_parallel>], iteration_bounds = array<i64: 2, 16>, scalar_prefetch = 0 : i64, scratch_operands = 2 : i64, tpu.core_type = #tpu.core_type<sc_vector_subcore>, window_params = [{transform_indices = #map}, {transform_indices = #map1}, {transform_indices = #map2}]} {
    tpu.enqueue_dma source(%arg3 : memref<448xf32, #tpu.memory_space<hbm>>) target(%arg5 : memref<448xf32, #tpu.memory_space<vmem>>) target_semaphore(%arg6 : memref<!tpu.dma_semaphore, #tpu.memory_space<semaphore_mem>>)
    tpu.wait_dma2 semaphore(%arg6 : memref<!tpu.dma_semaphore, #tpu.memory_space<semaphore_mem>>) src(%arg3 : memref<448xf32, #tpu.memory_space<hbm>>) dst(%arg5 : memref<448xf32, #tpu.memory_space<vmem>>)
    %iota3A = tpu.iota {dimensions = array<i32: 0>} : vector<16xi32>
    %mul3A = arith.constant 1 : i32
    %mul3A_0 = arith.muli %arg1, %mul3A : i32
    %add3A = arith.constant 0 : i32
    %add3A_1 = arith.addi %add3A, %mul3A_0 : i32
    %mul3A_2 = arith.constant 16 : i32
    %mul3A_3 = arith.muli %arg0, %mul3A_2 : i32
    %add3A_4 = arith.addi %add3A_1, %mul3A_3 : i32
    %mul3A_5 = arith.constant 4 : i32
    %mul3A_6 = arith.muli %add3A_4, %mul3A_5 : i32
    "tpu.region"() ({
      %run_scoped3A = memref.alloca() : memref<2x64x512xf32, #tpu.memory_space<vmem>>
      %run_scoped3A_7 = tpu.sem_alloc : memref<2x!tpu.dma_semaphore, #tpu.memory_space<semaphore_mem>>
      %run_scoped3A_8 = memref.alloca() : memref<2x7x1x512xf32, #tpu.memory_space<vmem>>
      %run_scoped3A_9 = tpu.sem_alloc : memref<2x!tpu.dma_semaphore, #tpu.memory_space<semaphore_mem>>
      %add3A_10 = arith.constant 0 : i32
      %add3A_11 = arith.addi %add3A_10, %mul3A_6 : i32
      %select_n3A = arith.constant true
      %select_n3A_12 = arith.constant 0 : i32
      %select_n3A_13 = arith.constant -1 : i32
      %select_n3A_14 = arith.select %select_n3A, %select_n3A_13, %select_n3A_12 : i32
      %eq3A = arith.constant -1 : i32
      %eq3A_15 = arith.cmpi eq, %select_n3A_14, %eq3A : i32
      %select_n3A_16 = arith.constant 3 : i32
      %select_n3A_17 = arith.select %eq3A_15, %select_n3A_16, %select_n3A_14 : i32
      %add3A_18 = arith.addi %select_n3A_17, %mul3A_6 : i32
      %select_n3A_19 = arith.constant true
      %select_n3A_20 = arith.constant 0 : i32
      %select_n3A_21 = arith.constant 1 : i32
      %select_n3A_22 = arith.select %select_n3A_19, %select_n3A_21, %select_n3A_20 : i32
      %eq3A_23 = arith.constant 4 : i32
      %eq3A_24 = arith.cmpi eq, %select_n3A_22, %eq3A_23 : i32
      %select_n3A_25 = arith.constant 0 : i32
      %select_n3A_26 = arith.select %eq3A_24, %select_n3A_25, %select_n3A_22 : i32
      %add3A_27 = arith.addi %select_n3A_26, %mul3A_6 : i32
      %add3A_28 = arith.constant 1 : i32
      %add3A_29 = arith.addi %select_n3A_26, %add3A_28 : i32
      %select_n3A_30 = arith.constant true
      %select_n3A_31 = arith.select %select_n3A_30, %add3A_29, %select_n3A_26 : i32
      %eq3A_32 = arith.constant 4 : i32
      %eq3A_33 = arith.cmpi eq, %select_n3A_31, %eq3A_32 : i32
      %select_n3A_34 = arith.constant 0 : i32
      %select_n3A_35 = arith.select %eq3A_33, %select_n3A_34, %select_n3A_31 : i32
      %add3A_36 = arith.addi %select_n3A_35, %mul3A_6 : i32
      "tpu.trace_start"() <{level = 10 : i32, message = "ep_initialize_0"}> : () -> ()
      %rem3A = arith.constant 0 : i32
      %rem3A_37 = arith.constant 2 : i32
      %rem3A_38 = arith.remui %rem3A, %rem3A_37 : i32
      %jit3A = arith.constant 8 : i32
      %div3A = arith.divsi %add3A_11, %jit3A : i32
      %sign3A = arith.constant 0 : i32
      %sign3A_39 = arith.cmpi sgt, %add3A_11, %sign3A : i32
      %sign3A_40 = arith.extui %sign3A_39 : i1 to i32
      %sign3A_41 = arith.constant 0 : i32
      %sign3A_42 = arith.cmpi slt, %add3A_11, %sign3A_41 : i32
      %sign3A_43 = arith.extui %sign3A_42 : i1 to i32
      %sign3A_44 = arith.subi %sign3A_40, %sign3A_43 : i32
      %sign3A_45 = arith.constant 0 : i32
      %sign3A_46 = arith.cmpi sgt, %jit3A, %sign3A_45 : i32
      %sign3A_47 = arith.extui %sign3A_46 : i1 to i32
      %sign3A_48 = arith.constant 0 : i32
      %sign3A_49 = arith.cmpi slt, %jit3A, %sign3A_48 : i32
      %sign3A_50 = arith.extui %sign3A_49 : i1 to i32
      %sign3A_51 = arith.subi %sign3A_47, %sign3A_50 : i32
      %ne3A = arith.cmpi ne, %sign3A_44, %sign3A_51 : i32
      %rem3A_52 = arith.remsi %add3A_11, %jit3A : i32
      %ne3A_53 = arith.constant 0 : i32
      %ne3A_54 = arith.cmpi ne, %rem3A_52, %ne3A_53 : i32
      %and3A = arith.andi %ne3A, %ne3A_54 : i1
      %sub3A = arith.constant 1 : i32
      %sub3A_55 = arith.subi %div3A, %sub3A : i32
      %select_n3A_56 = arith.select %and3A, %sub3A_55, %div3A : i32
      %jit3A_57 = arith.constant 8 : i32
      %eq3A_58 = arith.constant 0 : i32
      %eq3A_59 = arith.cmpi eq, %jit3A_57, %eq3A_58 : i32
      %jit3A_60 = arith.constant 1 : i32
      %select_n3A_61 = arith.select %eq3A_59, %jit3A_60, %jit3A_57 : i32
      %rem3A_62 = arith.remsi %add3A_11, %select_n3A_61 : i32
      %ne3A_63 = arith.constant 0 : i32
      %ne3A_64 = arith.cmpi ne, %rem3A_62, %ne3A_63 : i32
      %lt3A = arith.constant 0 : i32
      %lt3A_65 = arith.cmpi slt, %rem3A_62, %lt3A : i32
      %lt3A_66 = arith.constant 0 : i32
      %lt3A_67 = arith.cmpi slt, %select_n3A_61, %lt3A_66 : i32
      %ne3A_68 = arith.xori %lt3A_65, %lt3A_67 : i1
      %and3A_69 = arith.andi %ne3A_68, %ne3A_64 : i1
      %add3A_70 = arith.addi %rem3A_62, %select_n3A_61 : i32
      %select_n3A_71 = arith.select %and3A_69, %add3A_70, %rem3A_62 : i32
      %mul3A_72 = arith.constant 64 : i32
      %mul3A_73 = arith.muli %mul3A_72, %select_n3A_56 : i32
      %mul3A_74 = arith.constant 512 : i32
      %mul3A_75 = arith.muli %mul3A_74, %select_n3A_71 : i32
      %dma_start3A = arith.constant 0 : i32
      %dma_start3A_76 = arith.constant 0 : i32
      %dma_start3A_77 = tpu.memref_slice %run_scoped3A[%rem3A_38, %dma_start3A, %dma_start3A_76] : memref<2x64x512xf32, #tpu.memory_space<vmem>> -> memref<1x64x512xf32, #tpu.memory_space<vmem>>
      %dma_start3A_78 = tpu.memref_squeeze %dma_start3A_77 : memref<1x64x512xf32, #tpu.memory_space<vmem>> -> memref<64x512xf32, #tpu.memory_space<vmem>>
      %dma_start3A_79 = tpu.memref_slice %arg2[%mul3A_73, %mul3A_75] : memref<1024x4096xf32, #tpu.memory_space<hbm>> -> memref<64x512xf32, #tpu.memory_space<hbm>>
      %dma_start3A_80 = tpu.memref_slice %run_scoped3A_7[%rem3A_38] : memref<2x!tpu.dma_semaphore, #tpu.memory_space<semaphore_mem>> -> memref<1x!tpu.dma_semaphore, #tpu.memory_space<semaphore_mem>>
      %dma_start3A_81 = tpu.memref_squeeze %dma_start3A_80 : memref<1x!tpu.dma_semaphore, #tpu.memory_space<semaphore_mem>> -> memref<!tpu.dma_semaphore, #tpu.memory_space<semaphore_mem>>
      %dma_start3A_82 = arith.constant 0 : i32
      %dma_start3A_83 = arith.constant 0 : i32
      %dma_start3A_84 = tpu.memref_slice %run_scoped3A[%rem3A_38, %dma_start3A_82, %dma_start3A_83] : memref<2x64x512xf32, #tpu.memory_space<vmem>> -> memref<1x64x512xf32, #tpu.memory_space<vmem>>
      %dma_start3A_85 = tpu.memref_squeeze %dma_start3A_84 : memref<1x64x512xf32, #tpu.memory_space<vmem>> -> memref<64x512xf32, #tpu.memory_space<vmem>>
      %dma_start3A_86 = tpu.memref_slice %arg2[%mul3A_73, %mul3A_75] : memref<1024x4096xf32, #tpu.memory_space<hbm>> -> memref<64x512xf32, #tpu.memory_space<hbm>>
      tpu.enqueue_dma source(%dma_start3A_86 : memref<64x512xf32, #tpu.memory_space<hbm>>) target(%dma_start3A_85 : memref<64x512xf32, #tpu.memory_space<vmem>>) target_semaphore(%dma_start3A_81 : memref<!tpu.dma_semaphore, #tpu.memory_space<semaphore_mem>>)
      %add3A_87 = arith.constant 0 : i32
      %add3A_88 = arith.constant 1 : i32
      %add3A_89 = arith.addi %add3A_87, %add3A_88 : i32
      %select_n3A_90 = arith.constant true
      %select_n3A_91 = arith.constant 0 : i32
      %select_n3A_92 = arith.select %select_n3A_90, %add3A_89, %select_n3A_91 : i32
      "tpu.trace_stop"() : () -> ()
      %scan3A = arith.constant 0 : i32
      %scan3A_93 = arith.constant 0 : i32
      %scan3A_94 = arith.constant 0 : i32
      %scan3A_95 = arith.constant 0 : i32
      %scan3A_96 = arith.constant 0 : i32
      %scan3A_97 = arith.constant 4 : i32
      %scan3A_98 = arith.addi %scan3A_96, %scan3A_97 : i32
      %scan3A_99 = arith.constant 1 : i32
      %scan3A_100:5 = scf.for %scan3A_199 = %scan3A_96 to %scan3A_98 step %scan3A_99 iter_args(%scan3A_200 = %select_n3A_92, %scan3A_201 = %scan3A, %scan3A_202 = %scan3A_93, %scan3A_203 = %scan3A_94, %scan3A_204 = %scan3A_95) -> (i32, i32, i32, i32, i32)  : i32 {
        %eq3A_205 = arith.constant 0 : i32
        %eq3A_206 = arith.cmpi eq, %scan3A_199, %eq3A_205 : i32
        %eq3A_207 = arith.constant 3 : i32
        %eq3A_208 = arith.cmpi eq, %scan3A_199, %eq3A_207 : i32
        %add3A_209 = arith.addi %scan3A_204, %mul3A_6 : i32
        %sub3A_210 = arith.constant 1 : i32
        %sub3A_211 = arith.subi %scan3A_204, %sub3A_210 : i32
        %select_n3A_212 = arith.constant true
        %select_n3A_213 = arith.select %select_n3A_212, %sub3A_211, %scan3A_204 : i32
        %eq3A_214 = arith.constant -1 : i32
        %eq3A_215 = arith.cmpi eq, %select_n3A_213, %eq3A_214 : i32
        %select_n3A_216 = arith.constant 3 : i32
        %select_n3A_217 = arith.select %eq3A_215, %select_n3A_216, %select_n3A_213 : i32
        %add3A_218 = arith.addi %select_n3A_217, %mul3A_6 : i32
        %add3A_219 = arith.constant 1 : i32
        %add3A_220 = arith.addi %scan3A_204, %add3A_219 : i32
        %select_n3A_221 = arith.constant true
        %select_n3A_222 = arith.select %select_n3A_221, %add3A_220, %scan3A_204 : i32
        %eq3A_223 = arith.constant 4 : i32
        %eq3A_224 = arith.cmpi eq, %select_n3A_222, %eq3A_223 : i32
        %select_n3A_225 = arith.constant 0 : i32
        %select_n3A_226 = arith.select %eq3A_224, %select_n3A_225, %select_n3A_222 : i32
        %add3A_227 = arith.addi %select_n3A_226, %mul3A_6 : i32
        %add3A_228 = arith.constant 1 : i32
        %add3A_229 = arith.addi %select_n3A_226, %add3A_228 : i32
        %select_n3A_230 = arith.constant true
        %select_n3A_231 = arith.select %select_n3A_230, %add3A_229, %select_n3A_226 : i32
        %eq3A_232 = arith.constant 4 : i32
        %eq3A_233 = arith.cmpi eq, %select_n3A_231, %eq3A_232 : i32
        %select_n3A_234 = arith.constant 0 : i32
        %select_n3A_235 = arith.select %eq3A_233, %select_n3A_234, %select_n3A_231 : i32
        %add3A_236 = arith.addi %select_n3A_235, %mul3A_6 : i32
        %jit3A_237 = arith.constant 8 : i32
        %div3A_238 = arith.divsi %add3A_209, %jit3A_237 : i32
        %sign3A_239 = arith.constant 0 : i32
        %sign3A_240 = arith.cmpi sgt, %add3A_209, %sign3A_239 : i32
        %sign3A_241 = arith.extui %sign3A_240 : i1 to i32
        %sign3A_242 = arith.constant 0 : i32
        %sign3A_243 = arith.cmpi slt, %add3A_209, %sign3A_242 : i32
        %sign3A_244 = arith.extui %sign3A_243 : i1 to i32
        %sign3A_245 = arith.subi %sign3A_241, %sign3A_244 : i32
        %sign3A_246 = arith.constant 0 : i32
        %sign3A_247 = arith.cmpi sgt, %jit3A_237, %sign3A_246 : i32
        %sign3A_248 = arith.extui %sign3A_247 : i1 to i32
        %sign3A_249 = arith.constant 0 : i32
        %sign3A_250 = arith.cmpi slt, %jit3A_237, %sign3A_249 : i32
        %sign3A_251 = arith.extui %sign3A_250 : i1 to i32
        %sign3A_252 = arith.subi %sign3A_248, %sign3A_251 : i32
        %ne3A_253 = arith.cmpi ne, %sign3A_245, %sign3A_252 : i32
        %rem3A_254 = arith.remsi %add3A_209, %jit3A_237 : i32
        %ne3A_255 = arith.constant 0 : i32
        %ne3A_256 = arith.cmpi ne, %rem3A_254, %ne3A_255 : i32
        %and3A_257 = arith.andi %ne3A_253, %ne3A_256 : i1
        %sub3A_258 = arith.constant 1 : i32
        %sub3A_259 = arith.subi %div3A_238, %sub3A_258 : i32
        %select_n3A_260 = arith.select %and3A_257, %sub3A_259, %div3A_238 : i32
        %jit3A_261 = arith.constant 8 : i32
        %eq3A_262 = arith.constant 0 : i32
        %eq3A_263 = arith.cmpi eq, %jit3A_261, %eq3A_262 : i32
        %jit3A_264 = arith.constant 1 : i32
        %select_n3A_265 = arith.select %eq3A_263, %jit3A_264, %jit3A_261 : i32
        %rem3A_266 = arith.remsi %add3A_209, %select_n3A_265 : i32
        %ne3A_267 = arith.constant 0 : i32
        %ne3A_268 = arith.cmpi ne, %rem3A_266, %ne3A_267 : i32
        %lt3A_269 = arith.constant 0 : i32
        %lt3A_270 = arith.cmpi slt, %rem3A_266, %lt3A_269 : i32
        %lt3A_271 = arith.constant 0 : i32
        %lt3A_272 = arith.cmpi slt, %select_n3A_265, %lt3A_271 : i32
        %ne3A_273 = arith.xori %lt3A_270, %lt3A_272 : i1
        %and3A_274 = arith.andi %ne3A_273, %ne3A_268 : i1
        %add3A_275 = arith.addi %rem3A_266, %select_n3A_265 : i32
        %select_n3A_276 = arith.select %and3A_274, %add3A_275, %rem3A_266 : i32
        %jit3A_277 = arith.constant 8 : i32
        %div3A_278 = arith.divsi %add3A_227, %jit3A_277 : i32
        %sign3A_279 = arith.constant 0 : i32
        %sign3A_280 = arith.cmpi sgt, %add3A_227, %sign3A_279 : i32
        %sign3A_281 = arith.extui %sign3A_280 : i1 to i32
        %sign3A_282 = arith.constant 0 : i32
        %sign3A_283 = arith.cmpi slt, %add3A_227, %sign3A_282 : i32
        %sign3A_284 = arith.extui %sign3A_283 : i1 to i32
        %sign3A_285 = arith.subi %sign3A_281, %sign3A_284 : i32
        %sign3A_286 = arith.constant 0 : i32
        %sign3A_287 = arith.cmpi sgt, %jit3A_277, %sign3A_286 : i32
        %sign3A_288 = arith.extui %sign3A_287 : i1 to i32
        %sign3A_289 = arith.constant 0 : i32
        %sign3A_290 = arith.cmpi slt, %jit3A_277, %sign3A_289 : i32
        %sign3A_291 = arith.extui %sign3A_290 : i1 to i32
        %sign3A_292 = arith.subi %sign3A_288, %sign3A_291 : i32
        %ne3A_293 = arith.cmpi ne, %sign3A_285, %sign3A_292 : i32
        %rem3A_294 = arith.remsi %add3A_227, %jit3A_277 : i32
        %ne3A_295 = arith.constant 0 : i32
        %ne3A_296 = arith.cmpi ne, %rem3A_294, %ne3A_295 : i32
        %and3A_297 = arith.andi %ne3A_293, %ne3A_296 : i1
        %sub3A_298 = arith.constant 1 : i32
        %sub3A_299 = arith.subi %div3A_278, %sub3A_298 : i32
        %select_n3A_300 = arith.select %and3A_297, %sub3A_299, %div3A_278 : i32
        %jit3A_301 = arith.constant 8 : i32
        %eq3A_302 = arith.constant 0 : i32
        %eq3A_303 = arith.cmpi eq, %jit3A_301, %eq3A_302 : i32
        %jit3A_304 = arith.constant 1 : i32
        %select_n3A_305 = arith.select %eq3A_303, %jit3A_304, %jit3A_301 : i32
        %rem3A_306 = arith.remsi %add3A_227, %select_n3A_305 : i32
        %ne3A_307 = arith.constant 0 : i32
        %ne3A_308 = arith.cmpi ne, %rem3A_306, %ne3A_307 : i32
        %lt3A_309 = arith.constant 0 : i32
        %lt3A_310 = arith.cmpi slt, %rem3A_306, %lt3A_309 : i32
        %lt3A_311 = arith.constant 0 : i32
        %lt3A_312 = arith.cmpi slt, %select_n3A_305, %lt3A_311 : i32
        %ne3A_313 = arith.xori %lt3A_310, %lt3A_312 : i1
        %and3A_314 = arith.andi %ne3A_313, %ne3A_308 : i1
        %add3A_315 = arith.addi %rem3A_306, %select_n3A_305 : i32
        %select_n3A_316 = arith.select %and3A_314, %add3A_315, %rem3A_306 : i32
        %ne3A_317 = arith.cmpi ne, %select_n3A_260, %select_n3A_300 : i32
        %ne3A_318 = arith.cmpi ne, %select_n3A_276, %select_n3A_316 : i32
        %or3A = arith.constant false
        %or3A_319 = arith.ori %or3A, %ne3A_317 : i1
        %or3A_320 = arith.ori %or3A_319, %ne3A_318 : i1
        %ge3A = arith.constant 3 : i32
        %ge3A_321 = arith.cmpi sge, %scan3A_199, %ge3A : i32
        %not3A = arith.constant true
        %not3A_322 = arith.xori %ge3A_321, %not3A : i1
        %and3A_323 = arith.andi %or3A_320, %not3A_322 : i1
        %convert_element_type3A = arith.extui %and3A_323 : i1 to i32
        %cond3A = arith.constant 0 : i32
        %cond3A_324 = arith.cmpi ne, %convert_element_type3A, %cond3A : i32
        scf.if %cond3A_324 {
          "tpu.trace_start"() <{level = 10 : i32, message = "ep_copy_in"}> : () -> ()
          %rem3A_1078 = arith.constant 2 : i32
          %rem3A_1079 = arith.remui %scan3A_200, %rem3A_1078 : i32
          %jit3A_1080 = arith.constant 8 : i32
          %div3A_1081 = arith.divsi %add3A_227, %jit3A_1080 : i32
          %sign3A_1082 = arith.constant 0 : i32
          %sign3A_1083 = arith.cmpi sgt, %add3A_227, %sign3A_1082 : i32
          %sign3A_1084 = arith.extui %sign3A_1083 : i1 to i32
          %sign3A_1085 = arith.constant 0 : i32
          %sign3A_1086 = arith.cmpi slt, %add3A_227, %sign3A_1085 : i32
          %sign3A_1087 = arith.extui %sign3A_1086 : i1 to i32
          %sign3A_1088 = arith.subi %sign3A_1084, %sign3A_1087 : i32
          %sign3A_1089 = arith.constant 0 : i32
          %sign3A_1090 = arith.cmpi sgt, %jit3A_1080, %sign3A_1089 : i32
          %sign3A_1091 = arith.extui %sign3A_1090 : i1 to i32
          %sign3A_1092 = arith.constant 0 : i32
          %sign3A_1093 = arith.cmpi slt, %jit3A_1080, %sign3A_1092 : i32
          %sign3A_1094 = arith.extui %sign3A_1093 : i1 to i32
          %sign3A_1095 = arith.subi %sign3A_1091, %sign3A_1094 : i32
          %ne3A_1096 = arith.cmpi ne, %sign3A_1088, %sign3A_1095 : i32
          %rem3A_1097 = arith.remsi %add3A_227, %jit3A_1080 : i32
          %ne3A_1098 = arith.constant 0 : i32
          %ne3A_1099 = arith.cmpi ne, %rem3A_1097, %ne3A_1098 : i32
          %and3A_1100 = arith.andi %ne3A_1096, %ne3A_1099 : i1
          %sub3A_1101 = arith.constant 1 : i32
          %sub3A_1102 = arith.subi %div3A_1081, %sub3A_1101 : i32
          %select_n3A_1103 = arith.select %and3A_1100, %sub3A_1102, %div3A_1081 : i32
          %jit3A_1104 = arith.constant 8 : i32
          %eq3A_1105 = arith.constant 0 : i32
          %eq3A_1106 = arith.cmpi eq, %jit3A_1104, %eq3A_1105 : i32
          %jit3A_1107 = arith.constant 1 : i32
          %select_n3A_1108 = arith.select %eq3A_1106, %jit3A_1107, %jit3A_1104 : i32
          %rem3A_1109 = arith.remsi %add3A_227, %select_n3A_1108 : i32
          %ne3A_1110 = arith.constant 0 : i32
          %ne3A_1111 = arith.cmpi ne, %rem3A_1109, %ne3A_1110 : i32
          %lt3A_1112 = arith.constant 0 : i32
          %lt3A_1113 = arith.cmpi slt, %rem3A_1109, %lt3A_1112 : i32
          %lt3A_1114 = arith.constant 0 : i32
          %lt3A_1115 = arith.cmpi slt, %select_n3A_1108, %lt3A_1114 : i32
          %ne3A_1116 = arith.xori %lt3A_1113, %lt3A_1115 : i1
          %and3A_1117 = arith.andi %ne3A_1116, %ne3A_1111 : i1
          %add3A_1118 = arith.addi %rem3A_1109, %select_n3A_1108 : i32
          %select_n3A_1119 = arith.select %and3A_1117, %add3A_1118, %rem3A_1109 : i32
          %mul3A_1120 = arith.constant 64 : i32
          %mul3A_1121 = arith.muli %mul3A_1120, %select_n3A_1103 : i32
          %mul3A_1122 = arith.constant 512 : i32
          %mul3A_1123 = arith.muli %mul3A_1122, %select_n3A_1119 : i32
          %dma_start3A_1124 = arith.constant 0 : i32
          %dma_start3A_1125 = arith.constant 0 : i32
          %dma_start3A_1126 = tpu.memref_slice %run_scoped3A[%rem3A_1079, %dma_start3A_1124, %dma_start3A_1125] : memref<2x64x512xf32, #tpu.memory_space<vmem>> -> memref<1x64x512xf32, #tpu.memory_space<vmem>>
          %dma_start3A_1127 = tpu.memref_squeeze %dma_start3A_1126 : memref<1x64x512xf32, #tpu.memory_space<vmem>> -> memref<64x512xf32, #tpu.memory_space<vmem>>
          %dma_start3A_1128 = tpu.memref_slice %arg2[%mul3A_1121, %mul3A_1123] : memref<1024x4096xf32, #tpu.memory_space<hbm>> -> memref<64x512xf32, #tpu.memory_space<hbm>>
          %dma_start3A_1129 = tpu.memref_slice %run_scoped3A_7[%rem3A_1079] : memref<2x!tpu.dma_semaphore, #tpu.memory_space<semaphore_mem>> -> memref<1x!tpu.dma_semaphore, #tpu.memory_space<semaphore_mem>>
          %dma_start3A_1130 = tpu.memref_squeeze %dma_start3A_1129 : memref<1x!tpu.dma_semaphore, #tpu.memory_space<semaphore_mem>> -> memref<!tpu.dma_semaphore, #tpu.memory_space<semaphore_mem>>
          %dma_start3A_1131 = arith.constant 0 : i32
          %dma_start3A_1132 = arith.constant 0 : i32
          %dma_start3A_1133 = tpu.memref_slice %run_scoped3A[%rem3A_1079, %dma_start3A_1131, %dma_start3A_1132] : memref<2x64x512xf32, #tpu.memory_space<vmem>> -> memref<1x64x512xf32, #tpu.memory_space<vmem>>
          %dma_start3A_1134 = tpu.memref_squeeze %dma_start3A_1133 : memref<1x64x512xf32, #tpu.memory_space<vmem>> -> memref<64x512xf32, #tpu.memory_space<vmem>>
          %dma_start3A_1135 = tpu.memref_slice %arg2[%mul3A_1121, %mul3A_1123] : memref<1024x4096xf32, #tpu.memory_space<hbm>> -> memref<64x512xf32, #tpu.memory_space<hbm>>
          tpu.enqueue_dma source(%dma_start3A_1135 : memref<64x512xf32, #tpu.memory_space<hbm>>) target(%dma_start3A_1134 : memref<64x512xf32, #tpu.memory_space<vmem>>) target_semaphore(%dma_start3A_1130 : memref<!tpu.dma_semaphore, #tpu.memory_space<semaphore_mem>>)
          "tpu.trace_stop"() : () -> ()
        } else {
        }
        %and3A_325 = arith.constant true
        %and3A_326 = arith.andi %and3A_323, %and3A_325 : i1
        %add3A_327 = arith.constant 1 : i32
        %add3A_328 = arith.addi %scan3A_200, %add3A_327 : i32
        %select_n3A_329 = arith.select %and3A_326, %add3A_328, %scan3A_200 : i32
        %jit3A_330 = arith.constant 8 : i32
        %div3A_331 = arith.divsi %add3A_209, %jit3A_330 : i32
        %sign3A_332 = arith.constant 0 : i32
        %sign3A_333 = arith.cmpi sgt, %add3A_209, %sign3A_332 : i32
        %sign3A_334 = arith.extui %sign3A_333 : i1 to i32
        %sign3A_335 = arith.constant 0 : i32
        %sign3A_336 = arith.cmpi slt, %add3A_209, %sign3A_335 : i32
        %sign3A_337 = arith.extui %sign3A_336 : i1 to i32
        %sign3A_338 = arith.subi %sign3A_334, %sign3A_337 : i32
        %sign3A_339 = arith.constant 0 : i32
        %sign3A_340 = arith.cmpi sgt, %jit3A_330, %sign3A_339 : i32
        %sign3A_341 = arith.extui %sign3A_340 : i1 to i32
        %sign3A_342 = arith.constant 0 : i32
        %sign3A_343 = arith.cmpi slt, %jit3A_330, %sign3A_342 : i32
        %sign3A_344 = arith.extui %sign3A_343 : i1 to i32
        %sign3A_345 = arith.subi %sign3A_341, %sign3A_344 : i32
        %ne3A_346 = arith.cmpi ne, %sign3A_338, %sign3A_345 : i32
        %rem3A_347 = arith.remsi %add3A_209, %jit3A_330 : i32
        %ne3A_348 = arith.constant 0 : i32
        %ne3A_349 = arith.cmpi ne, %rem3A_347, %ne3A_348 : i32
        %and3A_350 = arith.andi %ne3A_346, %ne3A_349 : i1
        %sub3A_351 = arith.constant 1 : i32
        %sub3A_352 = arith.subi %div3A_331, %sub3A_351 : i32
        %select_n3A_353 = arith.select %and3A_350, %sub3A_352, %div3A_331 : i32
        %jit3A_354 = arith.constant 8 : i32
        %eq3A_355 = arith.constant 0 : i32
        %eq3A_356 = arith.cmpi eq, %jit3A_354, %eq3A_355 : i32
        %jit3A_357 = arith.constant 1 : i32
        %select_n3A_358 = arith.select %eq3A_356, %jit3A_357, %jit3A_354 : i32
        %rem3A_359 = arith.remsi %add3A_209, %select_n3A_358 : i32
        %ne3A_360 = arith.constant 0 : i32
        %ne3A_361 = arith.cmpi ne, %rem3A_359, %ne3A_360 : i32
        %lt3A_362 = arith.constant 0 : i32
        %lt3A_363 = arith.cmpi slt, %rem3A_359, %lt3A_362 : i32
        %lt3A_364 = arith.constant 0 : i32
        %lt3A_365 = arith.cmpi slt, %select_n3A_358, %lt3A_364 : i32
        %ne3A_366 = arith.xori %lt3A_363, %lt3A_365 : i1
        %and3A_367 = arith.andi %ne3A_366, %ne3A_361 : i1
        %add3A_368 = arith.addi %rem3A_359, %select_n3A_358 : i32
        %select_n3A_369 = arith.select %and3A_367, %add3A_368, %rem3A_359 : i32
        %jit3A_370 = arith.constant 8 : i32
        %div3A_371 = arith.divsi %add3A_227, %jit3A_370 : i32
        %sign3A_372 = arith.constant 0 : i32
        %sign3A_373 = arith.cmpi sgt, %add3A_227, %sign3A_372 : i32
        %sign3A_374 = arith.extui %sign3A_373 : i1 to i32
        %sign3A_375 = arith.constant 0 : i32
        %sign3A_376 = arith.cmpi slt, %add3A_227, %sign3A_375 : i32
        %sign3A_377 = arith.extui %sign3A_376 : i1 to i32
        %sign3A_378 = arith.subi %sign3A_374, %sign3A_377 : i32
        %sign3A_379 = arith.constant 0 : i32
        %sign3A_380 = arith.cmpi sgt, %jit3A_370, %sign3A_379 : i32
        %sign3A_381 = arith.extui %sign3A_380 : i1 to i32
        %sign3A_382 = arith.constant 0 : i32
        %sign3A_383 = arith.cmpi slt, %jit3A_370, %sign3A_382 : i32
        %sign3A_384 = arith.extui %sign3A_383 : i1 to i32
        %sign3A_385 = arith.subi %sign3A_381, %sign3A_384 : i32
        %ne3A_386 = arith.cmpi ne, %sign3A_378, %sign3A_385 : i32
        %rem3A_387 = arith.remsi %add3A_227, %jit3A_370 : i32
        %ne3A_388 = arith.constant 0 : i32
        %ne3A_389 = arith.cmpi ne, %rem3A_387, %ne3A_388 : i32
        %and3A_390 = arith.andi %ne3A_386, %ne3A_389 : i1
        %sub3A_391 = arith.constant 1 : i32
        %sub3A_392 = arith.subi %div3A_371, %sub3A_391 : i32
        %select_n3A_393 = arith.select %and3A_390, %sub3A_392, %div3A_371 : i32
        %jit3A_394 = arith.constant 8 : i32
        %eq3A_395 = arith.constant 0 : i32
        %eq3A_396 = arith.cmpi eq, %jit3A_394, %eq3A_395 : i32
        %jit3A_397 = arith.constant 1 : i32
        %select_n3A_398 = arith.select %eq3A_396, %jit3A_397, %jit3A_394 : i32
        %rem3A_399 = arith.remsi %add3A_227, %select_n3A_398 : i32
        %ne3A_400 = arith.constant 0 : i32
        %ne3A_401 = arith.cmpi ne, %rem3A_399, %ne3A_400 : i32
        %lt3A_402 = arith.constant 0 : i32
        %lt3A_403 = arith.cmpi slt, %rem3A_399, %lt3A_402 : i32
        %lt3A_404 = arith.constant 0 : i32
        %lt3A_405 = arith.cmpi slt, %select_n3A_398, %lt3A_404 : i32
        %ne3A_406 = arith.xori %lt3A_403, %lt3A_405 : i1
        %and3A_407 = arith.andi %ne3A_406, %ne3A_401 : i1
        %add3A_408 = arith.addi %rem3A_399, %select_n3A_398 : i32
        %select_n3A_409 = arith.select %and3A_407, %add3A_408, %rem3A_399 : i32
        %ne3A_410 = arith.cmpi ne, %select_n3A_353, %select_n3A_393 : i32
        %ne3A_411 = arith.cmpi ne, %select_n3A_369, %select_n3A_409 : i32
        %or3A_412 = arith.constant false
        %or3A_413 = arith.ori %or3A_412, %ne3A_410 : i1
        %or3A_414 = arith.ori %or3A_413, %ne3A_411 : i1
        %ge3A_415 = arith.constant 3 : i32
        %ge3A_416 = arith.cmpi sge, %scan3A_199, %ge3A_415 : i32
        %not3A_417 = arith.constant true
        %not3A_418 = arith.xori %ge3A_416, %not3A_417 : i1
        %and3A_419 = arith.andi %or3A_414, %not3A_418 : i1
        %jit3A_420 = arith.constant 8 : i32
        %div3A_421 = arith.divsi %add3A_209, %jit3A_420 : i32
        %sign3A_422 = arith.constant 0 : i32
        %sign3A_423 = arith.cmpi sgt, %add3A_209, %sign3A_422 : i32
        %sign3A_424 = arith.extui %sign3A_423 : i1 to i32
        %sign3A_425 = arith.constant 0 : i32
        %sign3A_426 = arith.cmpi slt, %add3A_209, %sign3A_425 : i32
        %sign3A_427 = arith.extui %sign3A_426 : i1 to i32
        %sign3A_428 = arith.subi %sign3A_424, %sign3A_427 : i32
        %sign3A_429 = arith.constant 0 : i32
        %sign3A_430 = arith.cmpi sgt, %jit3A_420, %sign3A_429 : i32
        %sign3A_431 = arith.extui %sign3A_430 : i1 to i32
        %sign3A_432 = arith.constant 0 : i32
        %sign3A_433 = arith.cmpi slt, %jit3A_420, %sign3A_432 : i32
        %sign3A_434 = arith.extui %sign3A_433 : i1 to i32
        %sign3A_435 = arith.subi %sign3A_431, %sign3A_434 : i32
        %ne3A_436 = arith.cmpi ne, %sign3A_428, %sign3A_435 : i32
        %rem3A_437 = arith.remsi %add3A_209, %jit3A_420 : i32
        %ne3A_438 = arith.constant 0 : i32
        %ne3A_439 = arith.cmpi ne, %rem3A_437, %ne3A_438 : i32
        %and3A_440 = arith.andi %ne3A_436, %ne3A_439 : i1
        %sub3A_441 = arith.constant 1 : i32
        %sub3A_442 = arith.subi %div3A_421, %sub3A_441 : i32
        %select_n3A_443 = arith.select %and3A_440, %sub3A_442, %div3A_421 : i32
        %jit3A_444 = arith.constant 8 : i32
        %eq3A_445 = arith.constant 0 : i32
        %eq3A_446 = arith.cmpi eq, %jit3A_444, %eq3A_445 : i32
        %jit3A_447 = arith.constant 1 : i32
        %select_n3A_448 = arith.select %eq3A_446, %jit3A_447, %jit3A_444 : i32
        %rem3A_449 = arith.remsi %add3A_209, %select_n3A_448 : i32
        %ne3A_450 = arith.constant 0 : i32
        %ne3A_451 = arith.cmpi ne, %rem3A_449, %ne3A_450 : i32
        %lt3A_452 = arith.constant 0 : i32
        %lt3A_453 = arith.cmpi slt, %rem3A_449, %lt3A_452 : i32
        %lt3A_454 = arith.constant 0 : i32
        %lt3A_455 = arith.cmpi slt, %select_n3A_448, %lt3A_454 : i32
        %ne3A_456 = arith.xori %lt3A_453, %lt3A_455 : i1
        %and3A_457 = arith.andi %ne3A_456, %ne3A_451 : i1
        %add3A_458 = arith.addi %rem3A_449, %select_n3A_448 : i32
        %select_n3A_459 = arith.select %and3A_457, %add3A_458, %rem3A_449 : i32
        %jit3A_460 = arith.constant 8 : i32
        %div3A_461 = arith.divsi %add3A_218, %jit3A_460 : i32
        %sign3A_462 = arith.constant 0 : i32
        %sign3A_463 = arith.cmpi sgt, %add3A_218, %sign3A_462 : i32
        %sign3A_464 = arith.extui %sign3A_463 : i1 to i32
        %sign3A_465 = arith.constant 0 : i32
        %sign3A_466 = arith.cmpi slt, %add3A_218, %sign3A_465 : i32
        %sign3A_467 = arith.extui %sign3A_466 : i1 to i32
        %sign3A_468 = arith.subi %sign3A_464, %sign3A_467 : i32
        %sign3A_469 = arith.constant 0 : i32
        %sign3A_470 = arith.cmpi sgt, %jit3A_460, %sign3A_469 : i32
        %sign3A_471 = arith.extui %sign3A_470 : i1 to i32
        %sign3A_472 = arith.constant 0 : i32
        %sign3A_473 = arith.cmpi slt, %jit3A_460, %sign3A_472 : i32
        %sign3A_474 = arith.extui %sign3A_473 : i1 to i32
        %sign3A_475 = arith.subi %sign3A_471, %sign3A_474 : i32
        %ne3A_476 = arith.cmpi ne, %sign3A_468, %sign3A_475 : i32
        %rem3A_477 = arith.remsi %add3A_218, %jit3A_460 : i32
        %ne3A_478 = arith.constant 0 : i32
        %ne3A_479 = arith.cmpi ne, %rem3A_477, %ne3A_478 : i32
        %and3A_480 = arith.andi %ne3A_476, %ne3A_479 : i1
        %sub3A_481 = arith.constant 1 : i32
        %sub3A_482 = arith.subi %div3A_461, %sub3A_481 : i32
        %select_n3A_483 = arith.select %and3A_480, %sub3A_482, %div3A_461 : i32
        %jit3A_484 = arith.constant 8 : i32
        %eq3A_485 = arith.constant 0 : i32
        %eq3A_486 = arith.cmpi eq, %jit3A_484, %eq3A_485 : i32
        %jit3A_487 = arith.constant 1 : i32
        %select_n3A_488 = arith.select %eq3A_486, %jit3A_487, %jit3A_484 : i32
        %rem3A_489 = arith.remsi %add3A_218, %select_n3A_488 : i32
        %ne3A_490 = arith.constant 0 : i32
        %ne3A_491 = arith.cmpi ne, %rem3A_489, %ne3A_490 : i32
        %lt3A_492 = arith.constant 0 : i32
        %lt3A_493 = arith.cmpi slt, %rem3A_489, %lt3A_492 : i32
        %lt3A_494 = arith.constant 0 : i32
        %lt3A_495 = arith.cmpi slt, %select_n3A_488, %lt3A_494 : i32
        %ne3A_496 = arith.xori %lt3A_493, %lt3A_495 : i1
        %and3A_497 = arith.andi %ne3A_496, %ne3A_491 : i1
        %add3A_498 = arith.addi %rem3A_489, %select_n3A_488 : i32
        %select_n3A_499 = arith.select %and3A_497, %add3A_498, %rem3A_489 : i32
        %ne3A_500 = arith.cmpi ne, %select_n3A_443, %select_n3A_483 : i32
        %ne3A_501 = arith.cmpi ne, %select_n3A_459, %select_n3A_499 : i32
        %or3A_502 = arith.constant false
        %or3A_503 = arith.ori %or3A_502, %ne3A_500 : i1
        %or3A_504 = arith.ori %or3A_503, %ne3A_501 : i1
        %or3A_505 = arith.ori %or3A_504, %eq3A_206 : i1
        %convert_element_type3A_506 = arith.extui %or3A_505 : i1 to i32
        %cond3A_507 = arith.constant 0 : i32
        %cond3A_508 = arith.cmpi ne, %convert_element_type3A_506, %cond3A_507 : i32
        scf.if %cond3A_508 {
          %jit3A_1078 = arith.constant 8 : i32
          "tpu.trace_start"() <{level = 10 : i32, message = "ep_wait_in"}> : () -> ()
          %div3A_1079 = arith.divsi %add3A_209, %jit3A_1078 : i32
          %sign3A_1080 = arith.constant 0 : i32
          %sign3A_1081 = arith.cmpi sgt, %add3A_209, %sign3A_1080 : i32
          %sign3A_1082 = arith.extui %sign3A_1081 : i1 to i32
          %sign3A_1083 = arith.constant 0 : i32
          %sign3A_1084 = arith.cmpi slt, %add3A_209, %sign3A_1083 : i32
          %sign3A_1085 = arith.extui %sign3A_1084 : i1 to i32
          %sign3A_1086 = arith.subi %sign3A_1082, %sign3A_1085 : i32
          %sign3A_1087 = arith.constant 0 : i32
          %sign3A_1088 = arith.cmpi sgt, %jit3A_1078, %sign3A_1087 : i32
          %sign3A_1089 = arith.extui %sign3A_1088 : i1 to i32
          %sign3A_1090 = arith.constant 0 : i32
          %sign3A_1091 = arith.cmpi slt, %jit3A_1078, %sign3A_1090 : i32
          %sign3A_1092 = arith.extui %sign3A_1091 : i1 to i32
          %sign3A_1093 = arith.subi %sign3A_1089, %sign3A_1092 : i32
          %ne3A_1094 = arith.cmpi ne, %sign3A_1086, %sign3A_1093 : i32
          %rem3A_1095 = arith.remsi %add3A_209, %jit3A_1078 : i32
          %ne3A_1096 = arith.constant 0 : i32
          %ne3A_1097 = arith.cmpi ne, %rem3A_1095, %ne3A_1096 : i32
          %and3A_1098 = arith.andi %ne3A_1094, %ne3A_1097 : i1
          %sub3A_1099 = arith.constant 1 : i32
          %sub3A_1100 = arith.subi %div3A_1079, %sub3A_1099 : i32
          %select_n3A_1101 = arith.select %and3A_1098, %sub3A_1100, %div3A_1079 : i32
          %jit3A_1102 = arith.constant 8 : i32
          %eq3A_1103 = arith.constant 0 : i32
          %eq3A_1104 = arith.cmpi eq, %jit3A_1102, %eq3A_1103 : i32
          %jit3A_1105 = arith.constant 1 : i32
          %select_n3A_1106 = arith.select %eq3A_1104, %jit3A_1105, %jit3A_1102 : i32
          %rem3A_1107 = arith.remsi %add3A_209, %select_n3A_1106 : i32
          %ne3A_1108 = arith.constant 0 : i32
          %ne3A_1109 = arith.cmpi ne, %rem3A_1107, %ne3A_1108 : i32
          %lt3A_1110 = arith.constant 0 : i32
          %lt3A_1111 = arith.cmpi slt, %rem3A_1107, %lt3A_1110 : i32
          %lt3A_1112 = arith.constant 0 : i32
          %lt3A_1113 = arith.cmpi slt, %select_n3A_1106, %lt3A_1112 : i32
          %ne3A_1114 = arith.xori %lt3A_1111, %lt3A_1113 : i1
          %and3A_1115 = arith.andi %ne3A_1114, %ne3A_1109 : i1
          %add3A_1116 = arith.addi %rem3A_1107, %select_n3A_1106 : i32
          %select_n3A_1117 = arith.select %and3A_1115, %add3A_1116, %rem3A_1107 : i32
          %mul3A_1118 = arith.constant 64 : i32
          %mul3A_1119 = arith.muli %mul3A_1118, %select_n3A_1101 : i32
          %mul3A_1120 = arith.constant 512 : i32
          %mul3A_1121 = arith.muli %mul3A_1120, %select_n3A_1117 : i32
          %rem3A_1122 = arith.constant 2 : i32
          %rem3A_1123 = arith.remui %scan3A_201, %rem3A_1122 : i32
          %dma_wait3A_1124 = arith.constant 0 : i32
          %dma_wait3A_1125 = arith.constant 0 : i32
          %dma_wait3A_1126 = tpu.memref_slice %run_scoped3A[%rem3A_1123, %dma_wait3A_1124, %dma_wait3A_1125] : memref<2x64x512xf32, #tpu.memory_space<vmem>> -> memref<1x64x512xf32, #tpu.memory_space<vmem>>
          %dma_wait3A_1127 = tpu.memref_squeeze %dma_wait3A_1126 : memref<1x64x512xf32, #tpu.memory_space<vmem>> -> memref<64x512xf32, #tpu.memory_space<vmem>>
          %dma_wait3A_1128 = tpu.memref_slice %arg2[%mul3A_1119, %mul3A_1121] : memref<1024x4096xf32, #tpu.memory_space<hbm>> -> memref<64x512xf32, #tpu.memory_space<hbm>>
          %dma_wait3A_1129 = tpu.memref_slice %run_scoped3A_7[%rem3A_1123] : memref<2x!tpu.dma_semaphore, #tpu.memory_space<semaphore_mem>> -> memref<1x!tpu.dma_semaphore, #tpu.memory_space<semaphore_mem>>
          %dma_wait3A_1130 = tpu.memref_squeeze %dma_wait3A_1129 : memref<1x!tpu.dma_semaphore, #tpu.memory_space<semaphore_mem>> -> memref<!tpu.dma_semaphore, #tpu.memory_space<semaphore_mem>>
          %dma_wait3A_1131 = arith.constant 0 : i32
          %dma_wait3A_1132 = arith.constant 0 : i32
          %dma_wait3A_1133 = tpu.memref_slice %run_scoped3A[%rem3A_1123, %dma_wait3A_1131, %dma_wait3A_1132] : memref<2x64x512xf32, #tpu.memory_space<vmem>> -> memref<1x64x512xf32, #tpu.memory_space<vmem>>
          %dma_wait3A_1134 = tpu.memref_squeeze %dma_wait3A_1133 : memref<1x64x512xf32, #tpu.memory_space<vmem>> -> memref<64x512xf32, #tpu.memory_space<vmem>>
          %dma_wait3A_1135 = tpu.memref_slice %arg2[%mul3A_1119, %mul3A_1121] : memref<1024x4096xf32, #tpu.memory_space<hbm>> -> memref<64x512xf32, #tpu.memory_space<hbm>>
          tpu.wait_dma2 semaphore(%dma_wait3A_1130 : memref<!tpu.dma_semaphore, #tpu.memory_space<semaphore_mem>>) src(%dma_wait3A_1135 : memref<64x512xf32, #tpu.memory_space<hbm>>) dst(%dma_wait3A_1134 : memref<64x512xf32, #tpu.memory_space<vmem>>)
          "tpu.trace_stop"() : () -> ()
        } else {
        }
        %jit3A_509 = arith.constant 8 : i32
        %div3A_510 = arith.divsi %add3A_209, %jit3A_509 : i32
        %sign3A_511 = arith.constant 0 : i32
        %sign3A_512 = arith.cmpi sgt, %add3A_209, %sign3A_511 : i32
        %sign3A_513 = arith.extui %sign3A_512 : i1 to i32
        %sign3A_514 = arith.constant 0 : i32
        %sign3A_515 = arith.cmpi slt, %add3A_209, %sign3A_514 : i32
        %sign3A_516 = arith.extui %sign3A_515 : i1 to i32
        %sign3A_517 = arith.subi %sign3A_513, %sign3A_516 : i32
        %sign3A_518 = arith.constant 0 : i32
        %sign3A_519 = arith.cmpi sgt, %jit3A_509, %sign3A_518 : i32
        %sign3A_520 = arith.extui %sign3A_519 : i1 to i32
        %sign3A_521 = arith.constant 0 : i32
        %sign3A_522 = arith.cmpi slt, %jit3A_509, %sign3A_521 : i32
        %sign3A_523 = arith.extui %sign3A_522 : i1 to i32
        %sign3A_524 = arith.subi %sign3A_520, %sign3A_523 : i32
        %ne3A_525 = arith.cmpi ne, %sign3A_517, %sign3A_524 : i32
        %rem3A_526 = arith.remsi %add3A_209, %jit3A_509 : i32
        %ne3A_527 = arith.constant 0 : i32
        %ne3A_528 = arith.cmpi ne, %rem3A_526, %ne3A_527 : i32
        %and3A_529 = arith.andi %ne3A_525, %ne3A_528 : i1
        %sub3A_530 = arith.constant 1 : i32
        %sub3A_531 = arith.subi %div3A_510, %sub3A_530 : i32
        %select_n3A_532 = arith.select %and3A_529, %sub3A_531, %div3A_510 : i32
        %jit3A_533 = arith.constant 8 : i32
        %eq3A_534 = arith.constant 0 : i32
        %eq3A_535 = arith.cmpi eq, %jit3A_533, %eq3A_534 : i32
        %jit3A_536 = arith.constant 1 : i32
        %select_n3A_537 = arith.select %eq3A_535, %jit3A_536, %jit3A_533 : i32
        %rem3A_538 = arith.remsi %add3A_209, %select_n3A_537 : i32
        %ne3A_539 = arith.constant 0 : i32
        %ne3A_540 = arith.cmpi ne, %rem3A_538, %ne3A_539 : i32
        %lt3A_541 = arith.constant 0 : i32
        %lt3A_542 = arith.cmpi slt, %rem3A_538, %lt3A_541 : i32
        %lt3A_543 = arith.constant 0 : i32
        %lt3A_544 = arith.cmpi slt, %select_n3A_537, %lt3A_543 : i32
        %ne3A_545 = arith.xori %lt3A_542, %lt3A_544 : i1
        %and3A_546 = arith.andi %ne3A_545, %ne3A_540 : i1
        %add3A_547 = arith.addi %rem3A_538, %select_n3A_537 : i32
        %select_n3A_548 = arith.select %and3A_546, %add3A_547, %rem3A_538 : i32
        %jit3A_549 = arith.constant 8 : i32
        %div3A_550 = arith.divsi %add3A_218, %jit3A_549 : i32
        %sign3A_551 = arith.constant 0 : i32
        %sign3A_552 = arith.cmpi sgt, %add3A_218, %sign3A_551 : i32
        %sign3A_553 = arith.extui %sign3A_552 : i1 to i32
        %sign3A_554 = arith.constant 0 : i32
        %sign3A_555 = arith.cmpi slt, %add3A_218, %sign3A_554 : i32
        %sign3A_556 = arith.extui %sign3A_555 : i1 to i32
        %sign3A_557 = arith.subi %sign3A_553, %sign3A_556 : i32
        %sign3A_558 = arith.constant 0 : i32
        %sign3A_559 = arith.cmpi sgt, %jit3A_549, %sign3A_558 : i32
        %sign3A_560 = arith.extui %sign3A_559 : i1 to i32
        %sign3A_561 = arith.constant 0 : i32
        %sign3A_562 = arith.cmpi slt, %jit3A_549, %sign3A_561 : i32
        %sign3A_563 = arith.extui %sign3A_562 : i1 to i32
        %sign3A_564 = arith.subi %sign3A_560, %sign3A_563 : i32
        %ne3A_565 = arith.cmpi ne, %sign3A_557, %sign3A_564 : i32
        %rem3A_566 = arith.remsi %add3A_218, %jit3A_549 : i32
        %ne3A_567 = arith.constant 0 : i32
        %ne3A_568 = arith.cmpi ne, %rem3A_566, %ne3A_567 : i32
        %and3A_569 = arith.andi %ne3A_565, %ne3A_568 : i1
        %sub3A_570 = arith.constant 1 : i32
        %sub3A_571 = arith.subi %div3A_550, %sub3A_570 : i32
        %select_n3A_572 = arith.select %and3A_569, %sub3A_571, %div3A_550 : i32
        %jit3A_573 = arith.constant 8 : i32
        %eq3A_574 = arith.constant 0 : i32
        %eq3A_575 = arith.cmpi eq, %jit3A_573, %eq3A_574 : i32
        %jit3A_576 = arith.constant 1 : i32
        %select_n3A_577 = arith.select %eq3A_575, %jit3A_576, %jit3A_573 : i32
        %rem3A_578 = arith.remsi %add3A_218, %select_n3A_577 : i32
        %ne3A_579 = arith.constant 0 : i32
        %ne3A_580 = arith.cmpi ne, %rem3A_578, %ne3A_579 : i32
        %lt3A_581 = arith.constant 0 : i32
        %lt3A_582 = arith.cmpi slt, %rem3A_578, %lt3A_581 : i32
        %lt3A_583 = arith.constant 0 : i32
        %lt3A_584 = arith.cmpi slt, %select_n3A_577, %lt3A_583 : i32
        %ne3A_585 = arith.xori %lt3A_582, %lt3A_584 : i1
        %and3A_586 = arith.andi %ne3A_585, %ne3A_580 : i1
        %add3A_587 = arith.addi %rem3A_578, %select_n3A_577 : i32
        %select_n3A_588 = arith.select %and3A_586, %add3A_587, %rem3A_578 : i32
        %ne3A_589 = arith.cmpi ne, %select_n3A_532, %select_n3A_572 : i32
        %ne3A_590 = arith.cmpi ne, %select_n3A_548, %select_n3A_588 : i32
        %or3A_591 = arith.constant false
        %or3A_592 = arith.ori %or3A_591, %ne3A_589 : i1
        %or3A_593 = arith.ori %or3A_592, %ne3A_590 : i1
        %or3A_594 = arith.ori %or3A_593, %eq3A_206 : i1
        %convert_element_type3A_595 = arith.extui %or3A_594 : i1 to i32
        %cond3A_596 = arith.constant 0 : i32
        %cond3A_597 = arith.cmpi ne, %convert_element_type3A_595, %cond3A_596 : i32
        scf.if %cond3A_597 {
        } else {
        }
        %rem3A_598 = arith.constant 2 : i32
        %rem3A_599 = arith.remui %scan3A_201, %rem3A_598 : i32
        %rem3A_600 = arith.constant 2 : i32
        %rem3A_601 = arith.remui %scan3A_202, %rem3A_600 : i32
        "tpu.trace_start"() <{level = 10 : i32, message = "ep_run_kernel"}> : () -> ()
        %scan3A_602 = arith.constant 0 : i32
        %scan3A_603 = arith.constant 32 : i32
        %scan3A_604 = arith.addi %scan3A_602, %scan3A_603 : i32
        %scan3A_605 = arith.constant 1 : i32
        scf.for %scan3A_1078 = %scan3A_602 to %scan3A_604 step %scan3A_605  : i32 {
          %mul3A_1079 = arith.constant 1 : i32
          %mul3A_1080 = arith.muli %scan3A_1078, %mul3A_1079 : i32
          %add3A_1081 = arith.constant 0 : i32
          %add3A_1082 = arith.addi %add3A_1081, %mul3A_1080 : i32
          %mul3A_1083 = arith.constant 16 : i32
          %mul3A_1084 = arith.muli %add3A_1082, %mul3A_1083 : i32
          %get3A = arith.constant 0 : i32
          %get3A_1085 = arith.constant 0 : i32
          %get3A_1086 = arith.constant 0 : i32
          %get3A_1087 = tpu.memref_slice %run_scoped3A[%rem3A_599, %get3A_1085, %get3A_1086] : memref<2x64x512xf32, #tpu.memory_space<vmem>> -> memref<1x64x512xf32, #tpu.memory_space<vmem>>
          %get3A_1088 = tpu.memref_squeeze %get3A_1087 : memref<1x64x512xf32, #tpu.memory_space<vmem>> -> memref<64x512xf32, #tpu.memory_space<vmem>>
          %get3A_1089 = arith.index_cast %get3A : i32 to index
          %get3A_1090 = arith.index_cast %mul3A_1084 : i32 to index
          %get3A_1091 = tpu.vector_load %get3A_1088[%get3A_1089, %get3A_1090] {strides = array<i32>} : memref<64x512xf32, #tpu.memory_space<vmem>>, vector<16xf32>,
          %broadcast_in_dim3A = arith.constant 0 : i32
          %broadcast_in_dim3A_1092 = vector.broadcast %broadcast_in_dim3A : i32 to vector<16xi32>
          %get3A_1093 = arith.constant 1 : i32
          %get3A_1094 = arith.constant 0 : i32
          %get3A_1095 = arith.constant 0 : i32
          %get3A_1096 = tpu.memref_slice %run_scoped3A[%rem3A_599, %get3A_1094, %get3A_1095] : memref<2x64x512xf32, #tpu.memory_space<vmem>> -> memref<1x64x512xf32, #tpu.memory_space<vmem>>
          %get3A_1097 = tpu.memref_squeeze %get3A_1096 : memref<1x64x512xf32, #tpu.memory_space<vmem>> -> memref<64x512xf32, #tpu.memory_space<vmem>>
          %get3A_1098 = arith.index_cast %get3A_1093 : i32 to index
          %get3A_1099 = arith.index_cast %mul3A_1084 : i32 to index
          %get3A_1100 = tpu.vector_load %get3A_1097[%get3A_1098, %get3A_1099] {strides = array<i32>} : memref<64x512xf32, #tpu.memory_space<vmem>>, vector<16xf32>,
          %gt3A = arith.cmpf ogt, %get3A_1100, %get3A_1091 : vector<16xf32>
          %select_n3A_1101 = arith.select %gt3A, %get3A_1100, %get3A_1091 : vector<16xi1>, vector<16xf32>
          %jit3A_1102 = arith.constant 1 : i32
          %broadcast_in_dim3A_1103 = vector.broadcast %jit3A_1102 : i32 to vector<16xi32>
          %select_n3A_1104 = arith.select %gt3A, %broadcast_in_dim3A_1103, %broadcast_in_dim3A_1092 : vector<16xi1>, vector<16xi32>
          %get3A_1105 = arith.constant 2 : i32
          %get3A_1106 = arith.constant 0 : i32
          %get3A_1107 = arith.constant 0 : i32
          %get3A_1108 = tpu.memref_slice %run_scoped3A[%rem3A_599, %get3A_1106, %get3A_1107] : memref<2x64x512xf32, #tpu.memory_space<vmem>> -> memref<1x64x512xf32, #tpu.memory_space<vmem>>
          %get3A_1109 = tpu.memref_squeeze %get3A_1108 : memref<1x64x512xf32, #tpu.memory_space<vmem>> -> memref<64x512xf32, #tpu.memory_space<vmem>>
          %get3A_1110 = arith.index_cast %get3A_1105 : i32 to index
          %get3A_1111 = arith.index_cast %mul3A_1084 : i32 to index
          %get3A_1112 = tpu.vector_load %get3A_1109[%get3A_1110, %get3A_1111] {strides = array<i32>} : memref<64x512xf32, #tpu.memory_space<vmem>>, vector<16xf32>,
          %gt3A_1113 = arith.cmpf ogt, %get3A_1112, %select_n3A_1101 : vector<16xf32>
          %select_n3A_1114 = arith.select %gt3A_1113, %get3A_1112, %select_n3A_1101 : vector<16xi1>, vector<16xf32>
          %jit3A_1115 = arith.constant 2 : i32
          %broadcast_in_dim3A_1116 = vector.broadcast %jit3A_1115 : i32 to vector<16xi32>
          %select_n3A_1117 = arith.select %gt3A_1113, %broadcast_in_dim3A_1116, %select_n3A_1104 : vector<16xi1>, vector<16xi32>
          %get3A_1118 = arith.constant 3 : i32
          %get3A_1119 = arith.constant 0 : i32
          %get3A_1120 = arith.constant 0 : i32
          %get3A_1121 = tpu.memref_slice %run_scoped3A[%rem3A_599, %get3A_1119, %get3A_1120] : memref<2x64x512xf32, #tpu.memory_space<vmem>> -> memref<1x64x512xf32, #tpu.memory_space<vmem>>
          %get3A_1122 = tpu.memref_squeeze %get3A_1121 : memref<1x64x512xf32, #tpu.memory_space<vmem>> -> memref<64x512xf32, #tpu.memory_space<vmem>>
          %get3A_1123 = arith.index_cast %get3A_1118 : i32 to index
          %get3A_1124 = arith.index_cast %mul3A_1084 : i32 to index
          %get3A_1125 = tpu.vector_load %get3A_1122[%get3A_1123, %get3A_1124] {strides = array<i32>} : memref<64x512xf32, #tpu.memory_space<vmem>>, vector<16xf32>,
          %gt3A_1126 = arith.cmpf ogt, %get3A_1125, %select_n3A_1114 : vector<16xf32>
          %select_n3A_1127 = arith.select %gt3A_1126, %get3A_1125, %select_n3A_1114 : vector<16xi1>, vector<16xf32>
          %jit3A_1128 = arith.constant 3 : i32
          %broadcast_in_dim3A_1129 = vector.broadcast %jit3A_1128 : i32 to vector<16xi32>
          %select_n3A_1130 = arith.select %gt3A_1126, %broadcast_in_dim3A_1129, %select_n3A_1117 : vector<16xi1>, vector<16xi32>
          %get3A_1131 = arith.constant 4 : i32
          %get3A_1132 = arith.constant 0 : i32
          %get3A_1133 = arith.constant 0 : i32
          %get3A_1134 = tpu.memref_slice %run_scoped3A[%rem3A_599, %get3A_1132, %get3A_1133] : memref<2x64x512xf32, #tpu.memory_space<vmem>> -> memref<1x64x512xf32, #tpu.memory_space<vmem>>
          %get3A_1135 = tpu.memref_squeeze %get3A_1134 : memref<1x64x512xf32, #tpu.memory_space<vmem>> -> memref<64x512xf32, #tpu.memory_space<vmem>>
          %get3A_1136 = arith.index_cast %get3A_1131 : i32 to index
          %get3A_1137 = arith.index_cast %mul3A_1084 : i32 to index
          %get3A_1138 = tpu.vector_load %get3A_1135[%get3A_1136, %get3A_1137] {strides = array<i32>} : memref<64x512xf32, #tpu.memory_space<vmem>>, vector<16xf32>,
          %gt3A_1139 = arith.cmpf ogt, %get3A_1138, %select_n3A_1127 : vector<16xf32>
          %select_n3A_1140 = arith.select %gt3A_1139, %get3A_1138, %select_n3A_1127 : vector<16xi1>, vector<16xf32>
          %jit3A_1141 = arith.constant 4 : i32
          %broadcast_in_dim3A_1142 = vector.broadcast %jit3A_1141 : i32 to vector<16xi32>
          %select_n3A_1143 = arith.select %gt3A_1139, %broadcast_in_dim3A_1142, %select_n3A_1130 : vector<16xi1>, vector<16xi32>
          %get3A_1144 = arith.constant 5 : i32
          %get3A_1145 = arith.constant 0 : i32
          %get3A_1146 = arith.constant 0 : i32
          %get3A_1147 = tpu.memref_slice %run_scoped3A[%rem3A_599, %get3A_1145, %get3A_1146] : memref<2x64x512xf32, #tpu.memory_space<vmem>> -> memref<1x64x512xf32, #tpu.memory_space<vmem>>
          %get3A_1148 = tpu.memref_squeeze %get3A_1147 : memref<1x64x512xf32, #tpu.memory_space<vmem>> -> memref<64x512xf32, #tpu.memory_space<vmem>>
          %get3A_1149 = arith.index_cast %get3A_1144 : i32 to index
          %get3A_1150 = arith.index_cast %mul3A_1084 : i32 to index
          %get3A_1151 = tpu.vector_load %get3A_1148[%get3A_1149, %get3A_1150] {strides = array<i32>} : memref<64x512xf32, #tpu.memory_space<vmem>>, vector<16xf32>,
          %gt3A_1152 = arith.cmpf ogt, %get3A_1151, %select_n3A_1140 : vector<16xf32>
          %select_n3A_1153 = arith.select %gt3A_1152, %get3A_1151, %select_n3A_1140 : vector<16xi1>, vector<16xf32>
          %jit3A_1154 = arith.constant 5 : i32
          %broadcast_in_dim3A_1155 = vector.broadcast %jit3A_1154 : i32 to vector<16xi32>
          %select_n3A_1156 = arith.select %gt3A_1152, %broadcast_in_dim3A_1155, %select_n3A_1143 : vector<16xi1>, vector<16xi32>
          %get3A_1157 = arith.constant 6 : i32
          %get3A_1158 = arith.constant 0 : i32
          %get3A_1159 = arith.constant 0 : i32
          %get3A_1160 = tpu.memref_slice %run_scoped3A[%rem3A_599, %get3A_1158, %get3A_1159] : memref<2x64x512xf32, #tpu.memory_space<vmem>> -> memref<1x64x512xf32, #tpu.memory_space<vmem>>
          %get3A_1161 = tpu.memref_squeeze %get3A_1160 : memref<1x64x512xf32, #tpu.memory_space<vmem>> -> memref<64x512xf32, #tpu.memory_space<vmem>>
          %get3A_1162 = arith.index_cast %get3A_1157 : i32 to index
          %get3A_1163 = arith.index_cast %mul3A_1084 : i32 to index
          %get3A_1164 = tpu.vector_load %get3A_1161[%get3A_1162, %get3A_1163] {strides = array<i32>} : memref<64x512xf32, #tpu.memory_space<vmem>>, vector<16xf32>,
          %gt3A_1165 = arith.cmpf ogt, %get3A_1164, %select_n3A_1153 : vector<16xf32>
          %select_n3A_1166 = arith.select %gt3A_1165, %get3A_1164, %select_n3A_1153 : vector<16xi1>, vector<16xf32>
          %jit3A_1167 = arith.constant 6 : i32
          %broadcast_in_dim3A_1168 = vector.broadcast %jit3A_1167 : i32 to vector<16xi32>
          %select_n3A_1169 = arith.select %gt3A_1165, %broadcast_in_dim3A_1168, %select_n3A_1156 : vector<16xi1>, vector<16xi32>
          %get3A_1170 = arith.constant 7 : i32
          %get3A_1171 = arith.constant 0 : i32
          %get3A_1172 = arith.constant 0 : i32
          %get3A_1173 = tpu.memref_slice %run_scoped3A[%rem3A_599, %get3A_1171, %get3A_1172] : memref<2x64x512xf32, #tpu.memory_space<vmem>> -> memref<1x64x512xf32, #tpu.memory_space<vmem>>
          %get3A_1174 = tpu.memref_squeeze %get3A_1173 : memref<1x64x512xf32, #tpu.memory_space<vmem>> -> memref<64x512xf32, #tpu.memory_space<vmem>>
          %get3A_1175 = arith.index_cast %get3A_1170 : i32 to index
          %get3A_1176 = arith.index_cast %mul3A_1084 : i32 to index
          %get3A_1177 = tpu.vector_load %get3A_1174[%get3A_1175, %get3A_1176] {strides = array<i32>} : memref<64x512xf32, #tpu.memory_space<vmem>>, vector<16xf32>,
          %gt3A_1178 = arith.cmpf ogt, %get3A_1177, %select_n3A_1166 : vector<16xf32>
          %select_n3A_1179 = arith.select %gt3A_1178, %get3A_1177, %select_n3A_1166 : vector<16xi1>, vector<16xf32>
          %jit3A_1180 = arith.constant 7 : i32
          %broadcast_in_dim3A_1181 = vector.broadcast %jit3A_1180 : i32 to vector<16xi32>
          %select_n3A_1182 = arith.select %gt3A_1178, %broadcast_in_dim3A_1181, %select_n3A_1169 : vector<16xi1>, vector<16xi32>
          %get3A_1183 = arith.constant 8 : i32
          %get3A_1184 = arith.constant 0 : i32
          %get3A_1185 = arith.constant 0 : i32
          %get3A_1186 = tpu.memref_slice %run_scoped3A[%rem3A_599, %get3A_1184, %get3A_1185] : memref<2x64x512xf32, #tpu.memory_space<vmem>> -> memref<1x64x512xf32, #tpu.memory_space<vmem>>
          %get3A_1187 = tpu.memref_squeeze %get3A_1186 : memref<1x64x512xf32, #tpu.memory_space<vmem>> -> memref<64x512xf32, #tpu.memory_space<vmem>>
          %get3A_1188 = arith.index_cast %get3A_1183 : i32 to index
          %get3A_1189 = arith.index_cast %mul3A_1084 : i32 to index
          %get3A_1190 = tpu.vector_load %get3A_1187[%get3A_1188, %get3A_1189] {strides = array<i32>} : memref<64x512xf32, #tpu.memory_space<vmem>>, vector<16xf32>,
          %broadcast_in_dim3A_1191 = arith.constant 8 : i32
          %broadcast_in_dim3A_1192 = vector.broadcast %broadcast_in_dim3A_1191 : i32 to vector<16xi32>
          %get3A_1193 = arith.constant 9 : i32
          %get3A_1194 = arith.constant 0 : i32
          %get3A_1195 = arith.constant 0 : i32
          %get3A_1196 = tpu.memref_slice %run_scoped3A[%rem3A_599, %get3A_1194, %get3A_1195] : memref<2x64x512xf32, #tpu.memory_space<vmem>> -> memref<1x64x512xf32, #tpu.memory_space<vmem>>
          %get3A_1197 = tpu.memref_squeeze %get3A_1196 : memref<1x64x512xf32, #tpu.memory_space<vmem>> -> memref<64x512xf32, #tpu.memory_space<vmem>>
          %get3A_1198 = arith.index_cast %get3A_1193 : i32 to index
          %get3A_1199 = arith.index_cast %mul3A_1084 : i32 to index
          %get3A_1200 = tpu.vector_load %get3A_1197[%get3A_1198, %get3A_1199] {strides = array<i32>} : memref<64x512xf32, #tpu.memory_space<vmem>>, vector<16xf32>,
          %gt3A_1201 = arith.cmpf ogt, %get3A_1200, %get3A_1190 : vector<16xf32>
          %select_n3A_1202 = arith.select %gt3A_1201, %get3A_1200, %get3A_1190 : vector<16xi1>, vector<16xf32>
          %jit3A_1203 = arith.constant 9 : i32
          %broadcast_in_dim3A_1204 = vector.broadcast %jit3A_1203 : i32 to vector<16xi32>
          %select_n3A_1205 = arith.select %gt3A_1201, %broadcast_in_dim3A_1204, %broadcast_in_dim3A_1192 : vector<16xi1>, vector<16xi32>
          %get3A_1206 = arith.constant 10 : i32
          %get3A_1207 = arith.constant 0 : i32
          %get3A_1208 = arith.constant 0 : i32
          %get3A_1209 = tpu.memref_slice %run_scoped3A[%rem3A_599, %get3A_1207, %get3A_1208] : memref<2x64x512xf32, #tpu.memory_space<vmem>> -> memref<1x64x512xf32, #tpu.memory_space<vmem>>
          %get3A_1210 = tpu.memref_squeeze %get3A_1209 : memref<1x64x512xf32, #tpu.memory_space<vmem>> -> memref<64x512xf32, #tpu.memory_space<vmem>>
          %get3A_1211 = arith.index_cast %get3A_1206 : i32 to index
          %get3A_1212 = arith.index_cast %mul3A_1084 : i32 to index
          %get3A_1213 = tpu.vector_load %get3A_1210[%get3A_1211, %get3A_1212] {strides = array<i32>} : memref<64x512xf32, #tpu.memory_space<vmem>>, vector<16xf32>,
          %gt3A_1214 = arith.cmpf ogt, %get3A_1213, %select_n3A_1202 : vector<16xf32>
          %select_n3A_1215 = arith.select %gt3A_1214, %get3A_1213, %select_n3A_1202 : vector<16xi1>, vector<16xf32>
          %jit3A_1216 = arith.constant 10 : i32
          %broadcast_in_dim3A_1217 = vector.broadcast %jit3A_1216 : i32 to vector<16xi32>
          %select_n3A_1218 = arith.select %gt3A_1214, %broadcast_in_dim3A_1217, %select_n3A_1205 : vector<16xi1>, vector<16xi32>
          %get3A_1219 = arith.constant 11 : i32
          %get3A_1220 = arith.constant 0 : i32
          %get3A_1221 = arith.constant 0 : i32
          %get3A_1222 = tpu.memref_slice %run_scoped3A[%rem3A_599, %get3A_1220, %get3A_1221] : memref<2x64x512xf32, #tpu.memory_space<vmem>> -> memref<1x64x512xf32, #tpu.memory_space<vmem>>
          %get3A_1223 = tpu.memref_squeeze %get3A_1222 : memref<1x64x512xf32, #tpu.memory_space<vmem>> -> memref<64x512xf32, #tpu.memory_space<vmem>>
          %get3A_1224 = arith.index_cast %get3A_1219 : i32 to index
          %get3A_1225 = arith.index_cast %mul3A_1084 : i32 to index
          %get3A_1226 = tpu.vector_load %get3A_1223[%get3A_1224, %get3A_1225] {strides = array<i32>} : memref<64x512xf32, #tpu.memory_space<vmem>>, vector<16xf32>,
          %gt3A_1227 = arith.cmpf ogt, %get3A_1226, %select_n3A_1215 : vector<16xf32>
          %select_n3A_1228 = arith.select %gt3A_1227, %get3A_1226, %select_n3A_1215 : vector<16xi1>, vector<16xf32>
          %jit3A_1229 = arith.constant 11 : i32
          %broadcast_in_dim3A_1230 = vector.broadcast %jit3A_1229 : i32 to vector<16xi32>
          %select_n3A_1231 = arith.select %gt3A_1227, %broadcast_in_dim3A_1230, %select_n3A_1218 : vector<16xi1>, vector<16xi32>
          %get3A_1232 = arith.constant 12 : i32
          %get3A_1233 = arith.constant 0 : i32
          %get3A_1234 = arith.constant 0 : i32
          %get3A_1235 = tpu.memref_slice %run_scoped3A[%rem3A_599, %get3A_1233, %get3A_1234] : memref<2x64x512xf32, #tpu.memory_space<vmem>> -> memref<1x64x512xf32, #tpu.memory_space<vmem>>
          %get3A_1236 = tpu.memref_squeeze %get3A_1235 : memref<1x64x512xf32, #tpu.memory_space<vmem>> -> memref<64x512xf32, #tpu.memory_space<vmem>>
          %get3A_1237 = arith.index_cast %get3A_1232 : i32 to index
          %get3A_1238 = arith.index_cast %mul3A_1084 : i32 to index
          %get3A_1239 = tpu.vector_load %get3A_1236[%get3A_1237, %get3A_1238] {strides = array<i32>} : memref<64x512xf32, #tpu.memory_space<vmem>>, vector<16xf32>,
          %gt3A_1240 = arith.cmpf ogt, %get3A_1239, %select_n3A_1228 : vector<16xf32>
          %select_n3A_1241 = arith.select %gt3A_1240, %get3A_1239, %select_n3A_1228 : vector<16xi1>, vector<16xf32>
          %jit3A_1242 = arith.constant 12 : i32
          %broadcast_in_dim3A_1243 = vector.broadcast %jit3A_1242 : i32 to vector<16xi32>
          %select_n3A_1244 = arith.select %gt3A_1240, %broadcast_in_dim3A_1243, %select_n3A_1231 : vector<16xi1>, vector<16xi32>
          %get3A_1245 = arith.constant 13 : i32
          %get3A_1246 = arith.constant 0 : i32
          %get3A_1247 = arith.constant 0 : i32
          %get3A_1248 = tpu.memref_slice %run_scoped3A[%rem3A_599, %get3A_1246, %get3A_1247] : memref<2x64x512xf32, #tpu.memory_space<vmem>> -> memref<1x64x512xf32, #tpu.memory_space<vmem>>
          %get3A_1249 = tpu.memref_squeeze %get3A_1248 : memref<1x64x512xf32, #tpu.memory_space<vmem>> -> memref<64x512xf32, #tpu.memory_space<vmem>>
          %get3A_1250 = arith.index_cast %get3A_1245 : i32 to index
          %get3A_1251 = arith.index_cast %mul3A_1084 : i32 to index
          %get3A_1252 = tpu.vector_load %get3A_1249[%get3A_1250, %get3A_1251] {strides = array<i32>} : memref<64x512xf32, #tpu.memory_space<vmem>>, vector<16xf32>,
          %gt3A_1253 = arith.cmpf ogt, %get3A_1252, %select_n3A_1241 : vector<16xf32>
          %select_n3A_1254 = arith.select %gt3A_1253, %get3A_1252, %select_n3A_1241 : vector<16xi1>, vector<16xf32>
          %jit3A_1255 = arith.constant 13 : i32
          %broadcast_in_dim3A_1256 = vector.broadcast %jit3A_1255 : i32 to vector<16xi32>
          %select_n3A_1257 = arith.select %gt3A_1253, %broadcast_in_dim3A_1256, %select_n3A_1244 : vector<16xi1>, vector<16xi32>
          %get3A_1258 = arith.constant 14 : i32
          %get3A_1259 = arith.constant 0 : i32
          %get3A_1260 = arith.constant 0 : i32
          %get3A_1261 = tpu.memref_slice %run_scoped3A[%rem3A_599, %get3A_1259, %get3A_1260] : memref<2x64x512xf32, #tpu.memory_space<vmem>> -> memref<1x64x512xf32, #tpu.memory_space<vmem>>
          %get3A_1262 = tpu.memref_squeeze %get3A_1261 : memref<1x64x512xf32, #tpu.memory_space<vmem>> -> memref<64x512xf32, #tpu.memory_space<vmem>>
          %get3A_1263 = arith.index_cast %get3A_1258 : i32 to index
          %get3A_1264 = arith.index_cast %mul3A_1084 : i32 to index
          %get3A_1265 = tpu.vector_load %get3A_1262[%get3A_1263, %get3A_1264] {strides = array<i32>} : memref<64x512xf32, #tpu.memory_space<vmem>>, vector<16xf32>,
          %gt3A_1266 = arith.cmpf ogt, %get3A_1265, %select_n3A_1254 : vector<16xf32>
          %select_n3A_1267 = arith.select %gt3A_1266, %get3A_1265, %select_n3A_1254 : vector<16xi1>, vector<16xf32>
          %jit3A_1268 = arith.constant 14 : i32
          %broadcast_in_dim3A_1269 = vector.broadcast %jit3A_1268 : i32 to vector<16xi32>
          %select_n3A_1270 = arith.select %gt3A_1266, %broadcast_in_dim3A_1269, %select_n3A_1257 : vector<16xi1>, vector<16xi32>
          %get3A_1271 = arith.constant 15 : i32
          %get3A_1272 = arith.constant 0 : i32
          %get3A_1273 = arith.constant 0 : i32
          %get3A_1274 = tpu.memref_slice %run_scoped3A[%rem3A_599, %get3A_1272, %get3A_1273] : memref<2x64x512xf32, #tpu.memory_space<vmem>> -> memref<1x64x512xf32, #tpu.memory_space<vmem>>
          %get3A_1275 = tpu.memref_squeeze %get3A_1274 : memref<1x64x512xf32, #tpu.memory_space<vmem>> -> memref<64x512xf32, #tpu.memory_space<vmem>>
          %get3A_1276 = arith.index_cast %get3A_1271 : i32 to index
          %get3A_1277 = arith.index_cast %mul3A_1084 : i32 to index
          %get3A_1278 = tpu.vector_load %get3A_1275[%get3A_1276, %get3A_1277] {strides = array<i32>} : memref<64x512xf32, #tpu.memory_space<vmem>>, vector<16xf32>,
          %gt3A_1279 = arith.cmpf ogt, %get3A_1278, %select_n3A_1267 : vector<16xf32>
          %select_n3A_1280 = arith.select %gt3A_1279, %get3A_1278, %select_n3A_1267 : vector<16xi1>, vector<16xf32>
          %jit3A_1281 = arith.constant 15 : i32
          %broadcast_in_dim3A_1282 = vector.broadcast %jit3A_1281 : i32 to vector<16xi32>
          %select_n3A_1283 = arith.select %gt3A_1279, %broadcast_in_dim3A_1282, %select_n3A_1270 : vector<16xi1>, vector<16xi32>
          %get3A_1284 = arith.constant 16 : i32
          %get3A_1285 = arith.constant 0 : i32
          %get3A_1286 = arith.constant 0 : i32
          %get3A_1287 = tpu.memref_slice %run_scoped3A[%rem3A_599, %get3A_1285, %get3A_1286] : memref<2x64x512xf32, #tpu.memory_space<vmem>> -> memref<1x64x512xf32, #tpu.memory_space<vmem>>
          %get3A_1288 = tpu.memref_squeeze %get3A_1287 : memref<1x64x512xf32, #tpu.memory_space<vmem>> -> memref<64x512xf32, #tpu.memory_space<vmem>>
          %get3A_1289 = arith.index_cast %get3A_1284 : i32 to index
          %get3A_1290 = arith.index_cast %mul3A_1084 : i32 to index
          %get3A_1291 = tpu.vector_load %get3A_1288[%get3A_1289, %get3A_1290] {strides = array<i32>} : memref<64x512xf32, #tpu.memory_space<vmem>>, vector<16xf32>,
          %broadcast_in_dim3A_1292 = arith.constant 16 : i32
          %broadcast_in_dim3A_1293 = vector.broadcast %broadcast_in_dim3A_1292 : i32 to vector<16xi32>
          %get3A_1294 = arith.constant 17 : i32
          %get3A_1295 = arith.constant 0 : i32
          %get3A_1296 = arith.constant 0 : i32
          %get3A_1297 = tpu.memref_slice %run_scoped3A[%rem3A_599, %get3A_1295, %get3A_1296] : memref<2x64x512xf32, #tpu.memory_space<vmem>> -> memref<1x64x512xf32, #tpu.memory_space<vmem>>
          %get3A_1298 = tpu.memref_squeeze %get3A_1297 : memref<1x64x512xf32, #tpu.memory_space<vmem>> -> memref<64x512xf32, #tpu.memory_space<vmem>>
          %get3A_1299 = arith.index_cast %get3A_1294 : i32 to index
          %get3A_1300 = arith.index_cast %mul3A_1084 : i32 to index
          %get3A_1301 = tpu.vector_load %get3A_1298[%get3A_1299, %get3A_1300] {strides = array<i32>} : memref<64x512xf32, #tpu.memory_space<vmem>>, vector<16xf32>,
          %gt3A_1302 = arith.cmpf ogt, %get3A_1301, %get3A_1291 : vector<16xf32>
          %select_n3A_1303 = arith.select %gt3A_1302, %get3A_1301, %get3A_1291 : vector<16xi1>, vector<16xf32>
          %jit3A_1304 = arith.constant 17 : i32
          %broadcast_in_dim3A_1305 = vector.broadcast %jit3A_1304 : i32 to vector<16xi32>
          %select_n3A_1306 = arith.select %gt3A_1302, %broadcast_in_dim3A_1305, %broadcast_in_dim3A_1293 : vector<16xi1>, vector<16xi32>
          %get3A_1307 = arith.constant 18 : i32
          %get3A_1308 = arith.constant 0 : i32
          %get3A_1309 = arith.constant 0 : i32
          %get3A_1310 = tpu.memref_slice %run_scoped3A[%rem3A_599, %get3A_1308, %get3A_1309] : memref<2x64x512xf32, #tpu.memory_space<vmem>> -> memref<1x64x512xf32, #tpu.memory_space<vmem>>
          %get3A_1311 = tpu.memref_squeeze %get3A_1310 : memref<1x64x512xf32, #tpu.memory_space<vmem>> -> memref<64x512xf32, #tpu.memory_space<vmem>>
          %get3A_1312 = arith.index_cast %get3A_1307 : i32 to index
          %get3A_1313 = arith.index_cast %mul3A_1084 : i32 to index
          %get3A_1314 = tpu.vector_load %get3A_1311[%get3A_1312, %get3A_1313] {strides = array<i32>} : memref<64x512xf32, #tpu.memory_space<vmem>>, vector<16xf32>,
          %gt3A_1315 = arith.cmpf ogt, %get3A_1314, %select_n3A_1303 : vector<16xf32>
          %select_n3A_1316 = arith.select %gt3A_1315, %get3A_1314, %select_n3A_1303 : vector<16xi1>, vector<16xf32>
          %jit3A_1317 = arith.constant 18 : i32
          %broadcast_in_dim3A_1318 = vector.broadcast %jit3A_1317 : i32 to vector<16xi32>
          %select_n3A_1319 = arith.select %gt3A_1315, %broadcast_in_dim3A_1318, %select_n3A_1306 : vector<16xi1>, vector<16xi32>
          %get3A_1320 = arith.constant 19 : i32
          %get3A_1321 = arith.constant 0 : i32
          %get3A_1322 = arith.constant 0 : i32
          %get3A_1323 = tpu.memref_slice %run_scoped3A[%rem3A_599, %get3A_1321, %get3A_1322] : memref<2x64x512xf32, #tpu.memory_space<vmem>> -> memref<1x64x512xf32, #tpu.memory_space<vmem>>
          %get3A_1324 = tpu.memref_squeeze %get3A_1323 : memref<1x64x512xf32, #tpu.memory_space<vmem>> -> memref<64x512xf32, #tpu.memory_space<vmem>>
          %get3A_1325 = arith.index_cast %get3A_1320 : i32 to index
          %get3A_1326 = arith.index_cast %mul3A_1084 : i32 to index
          %get3A_1327 = tpu.vector_load %get3A_1324[%get3A_1325, %get3A_1326] {strides = array<i32>} : memref<64x512xf32, #tpu.memory_space<vmem>>, vector<16xf32>,
          %gt3A_1328 = arith.cmpf ogt, %get3A_1327, %select_n3A_1316 : vector<16xf32>
          %select_n3A_1329 = arith.select %gt3A_1328, %get3A_1327, %select_n3A_1316 : vector<16xi1>, vector<16xf32>
          %jit3A_1330 = arith.constant 19 : i32
          %broadcast_in_dim3A_1331 = vector.broadcast %jit3A_1330 : i32 to vector<16xi32>
          %select_n3A_1332 = arith.select %gt3A_1328, %broadcast_in_dim3A_1331, %select_n3A_1319 : vector<16xi1>, vector<16xi32>
          %get3A_1333 = arith.constant 20 : i32
          %get3A_1334 = arith.constant 0 : i32
          %get3A_1335 = arith.constant 0 : i32
          %get3A_1336 = tpu.memref_slice %run_scoped3A[%rem3A_599, %get3A_1334, %get3A_1335] : memref<2x64x512xf32, #tpu.memory_space<vmem>> -> memref<1x64x512xf32, #tpu.memory_space<vmem>>
          %get3A_1337 = tpu.memref_squeeze %get3A_1336 : memref<1x64x512xf32, #tpu.memory_space<vmem>> -> memref<64x512xf32, #tpu.memory_space<vmem>>
          %get3A_1338 = arith.index_cast %get3A_1333 : i32 to index
          %get3A_1339 = arith.index_cast %mul3A_1084 : i32 to index
          %get3A_1340 = tpu.vector_load %get3A_1337[%get3A_1338, %get3A_1339] {strides = array<i32>} : memref<64x512xf32, #tpu.memory_space<vmem>>, vector<16xf32>,
          %gt3A_1341 = arith.cmpf ogt, %get3A_1340, %select_n3A_1329 : vector<16xf32>
          %select_n3A_1342 = arith.select %gt3A_1341, %get3A_1340, %select_n3A_1329 : vector<16xi1>, vector<16xf32>
          %jit3A_1343 = arith.constant 20 : i32
          %broadcast_in_dim3A_1344 = vector.broadcast %jit3A_1343 : i32 to vector<16xi32>
          %select_n3A_1345 = arith.select %gt3A_1341, %broadcast_in_dim3A_1344, %select_n3A_1332 : vector<16xi1>, vector<16xi32>
          %get3A_1346 = arith.constant 21 : i32
          %get3A_1347 = arith.constant 0 : i32
          %get3A_1348 = arith.constant 0 : i32
          %get3A_1349 = tpu.memref_slice %run_scoped3A[%rem3A_599, %get3A_1347, %get3A_1348] : memref<2x64x512xf32, #tpu.memory_space<vmem>> -> memref<1x64x512xf32, #tpu.memory_space<vmem>>
          %get3A_1350 = tpu.memref_squeeze %get3A_1349 : memref<1x64x512xf32, #tpu.memory_space<vmem>> -> memref<64x512xf32, #tpu.memory_space<vmem>>
          %get3A_1351 = arith.index_cast %get3A_1346 : i32 to index
          %get3A_1352 = arith.index_cast %mul3A_1084 : i32 to index
          %get3A_1353 = tpu.vector_load %get3A_1350[%get3A_1351, %get3A_1352] {strides = array<i32>} : memref<64x512xf32, #tpu.memory_space<vmem>>, vector<16xf32>,
          %gt3A_1354 = arith.cmpf ogt, %get3A_1353, %select_n3A_1342 : vector<16xf32>
          %select_n3A_1355 = arith.select %gt3A_1354, %get3A_1353, %select_n3A_1342 : vector<16xi1>, vector<16xf32>
          %jit3A_1356 = arith.constant 21 : i32
          %broadcast_in_dim3A_1357 = vector.broadcast %jit3A_1356 : i32 to vector<16xi32>
          %select_n3A_1358 = arith.select %gt3A_1354, %broadcast_in_dim3A_1357, %select_n3A_1345 : vector<16xi1>, vector<16xi32>
          %get3A_1359 = arith.constant 22 : i32
          %get3A_1360 = arith.constant 0 : i32
          %get3A_1361 = arith.constant 0 : i32
          %get3A_1362 = tpu.memref_slice %run_scoped3A[%rem3A_599, %get3A_1360, %get3A_1361] : memref<2x64x512xf32, #tpu.memory_space<vmem>> -> memref<1x64x512xf32, #tpu.memory_space<vmem>>
          %get3A_1363 = tpu.memref_squeeze %get3A_1362 : memref<1x64x512xf32, #tpu.memory_space<vmem>> -> memref<64x512xf32, #tpu.memory_space<vmem>>
          %get3A_1364 = arith.index_cast %get3A_1359 : i32 to index
          %get3A_1365 = arith.index_cast %mul3A_1084 : i32 to index
          %get3A_1366 = tpu.vector_load %get3A_1363[%get3A_1364, %get3A_1365] {strides = array<i32>} : memref<64x512xf32, #tpu.memory_space<vmem>>, vector<16xf32>,
          %gt3A_1367 = arith.cmpf ogt, %get3A_1366, %select_n3A_1355 : vector<16xf32>
          %select_n3A_1368 = arith.select %gt3A_1367, %get3A_1366, %select_n3A_1355 : vector<16xi1>, vector<16xf32>
          %jit3A_1369 = arith.constant 22 : i32
          %broadcast_in_dim3A_1370 = vector.broadcast %jit3A_1369 : i32 to vector<16xi32>
          %select_n3A_1371 = arith.select %gt3A_1367, %broadcast_in_dim3A_1370, %select_n3A_1358 : vector<16xi1>, vector<16xi32>
          %get3A_1372 = arith.constant 23 : i32
          %get3A_1373 = arith.constant 0 : i32
          %get3A_1374 = arith.constant 0 : i32
          %get3A_1375 = tpu.memref_slice %run_scoped3A[%rem3A_599, %get3A_1373, %get3A_1374] : memref<2x64x512xf32, #tpu.memory_space<vmem>> -> memref<1x64x512xf32, #tpu.memory_space<vmem>>
          %get3A_1376 = tpu.memref_squeeze %get3A_1375 : memref<1x64x512xf32, #tpu.memory_space<vmem>> -> memref<64x512xf32, #tpu.memory_space<vmem>>
          %get3A_1377 = arith.index_cast %get3A_1372 : i32 to index
          %get3A_1378 = arith.index_cast %mul3A_1084 : i32 to index
          %get3A_1379 = tpu.vector_load %get3A_1376[%get3A_1377, %get3A_1378] {strides = array<i32>} : memref<64x512xf32, #tpu.memory_space<vmem>>, vector<16xf32>,
          %gt3A_1380 = arith.cmpf ogt, %get3A_1379, %select_n3A_1368 : vector<16xf32>
          %select_n3A_1381 = arith.select %gt3A_1380, %get3A_1379, %select_n3A_1368 : vector<16xi1>, vector<16xf32>
          %jit3A_1382 = arith.constant 23 : i32
          %broadcast_in_dim3A_1383 = vector.broadcast %jit3A_1382 : i32 to vector<16xi32>
          %select_n3A_1384 = arith.select %gt3A_1380, %broadcast_in_dim3A_1383, %select_n3A_1371 : vector<16xi1>, vector<16xi32>
          %get3A_1385 = arith.constant 24 : i32
          %get3A_1386 = arith.constant 0 : i32
          %get3A_1387 = arith.constant 0 : i32
          %get3A_1388 = tpu.memref_slice %run_scoped3A[%rem3A_599, %get3A_1386, %get3A_1387] : memref<2x64x512xf32, #tpu.memory_space<vmem>> -> memref<1x64x512xf32, #tpu.memory_space<vmem>>
          %get3A_1389 = tpu.memref_squeeze %get3A_1388 : memref<1x64x512xf32, #tpu.memory_space<vmem>> -> memref<64x512xf32, #tpu.memory_space<vmem>>
          %get3A_1390 = arith.index_cast %get3A_1385 : i32 to index
          %get3A_1391 = arith.index_cast %mul3A_1084 : i32 to index
          %get3A_1392 = tpu.vector_load %get3A_1389[%get3A_1390, %get3A_1391] {strides = array<i32>} : memref<64x512xf32, #tpu.memory_space<vmem>>, vector<16xf32>,
          %broadcast_in_dim3A_1393 = arith.constant 24 : i32
          %broadcast_in_dim3A_1394 = vector.broadcast %broadcast_in_dim3A_1393 : i32 to vector<16xi32>
          %get3A_1395 = arith.constant 25 : i32
          %get3A_1396 = arith.constant 0 : i32
          %get3A_1397 = arith.constant 0 : i32
          %get3A_1398 = tpu.memref_slice %run_scoped3A[%rem3A_599, %get3A_1396, %get3A_1397] : memref<2x64x512xf32, #tpu.memory_space<vmem>> -> memref<1x64x512xf32, #tpu.memory_space<vmem>>
          %get3A_1399 = tpu.memref_squeeze %get3A_1398 : memref<1x64x512xf32, #tpu.memory_space<vmem>> -> memref<64x512xf32, #tpu.memory_space<vmem>>
          %get3A_1400 = arith.index_cast %get3A_1395 : i32 to index
          %get3A_1401 = arith.index_cast %mul3A_1084 : i32 to index
          %get3A_1402 = tpu.vector_load %get3A_1399[%get3A_1400, %get3A_1401] {strides = array<i32>} : memref<64x512xf32, #tpu.memory_space<vmem>>, vector<16xf32>,
          %gt3A_1403 = arith.cmpf ogt, %get3A_1402, %get3A_1392 : vector<16xf32>
          %select_n3A_1404 = arith.select %gt3A_1403, %get3A_1402, %get3A_1392 : vector<16xi1>, vector<16xf32>
          %jit3A_1405 = arith.constant 25 : i32
          %broadcast_in_dim3A_1406 = vector.broadcast %jit3A_1405 : i32 to vector<16xi32>
          %select_n3A_1407 = arith.select %gt3A_1403, %broadcast_in_dim3A_1406, %broadcast_in_dim3A_1394 : vector<16xi1>, vector<16xi32>
          %get3A_1408 = arith.constant 26 : i32
          %get3A_1409 = arith.constant 0 : i32
          %get3A_1410 = arith.constant 0 : i32
          %get3A_1411 = tpu.memref_slice %run_scoped3A[%rem3A_599, %get3A_1409, %get3A_1410] : memref<2x64x512xf32, #tpu.memory_space<vmem>> -> memref<1x64x512xf32, #tpu.memory_space<vmem>>
          %get3A_1412 = tpu.memref_squeeze %get3A_1411 : memref<1x64x512xf32, #tpu.memory_space<vmem>> -> memref<64x512xf32, #tpu.memory_space<vmem>>
          %get3A_1413 = arith.index_cast %get3A_1408 : i32 to index
          %get3A_1414 = arith.index_cast %mul3A_1084 : i32 to index
          %get3A_1415 = tpu.vector_load %get3A_1412[%get3A_1413, %get3A_1414] {strides = array<i32>} : memref<64x512xf32, #tpu.memory_space<vmem>>, vector<16xf32>,
          %gt3A_1416 = arith.cmpf ogt, %get3A_1415, %select_n3A_1404 : vector<16xf32>
          %select_n3A_1417 = arith.select %gt3A_1416, %get3A_1415, %select_n3A_1404 : vector<16xi1>, vector<16xf32>
          %jit3A_1418 = arith.constant 26 : i32
          %broadcast_in_dim3A_1419 = vector.broadcast %jit3A_1418 : i32 to vector<16xi32>
          %select_n3A_1420 = arith.select %gt3A_1416, %broadcast_in_dim3A_1419, %select_n3A_1407 : vector<16xi1>, vector<16xi32>
          %get3A_1421 = arith.constant 27 : i32
          %get3A_1422 = arith.constant 0 : i32
          %get3A_1423 = arith.constant 0 : i32
          %get3A_1424 = tpu.memref_slice %run_scoped3A[%rem3A_599, %get3A_1422, %get3A_1423] : memref<2x64x512xf32, #tpu.memory_space<vmem>> -> memref<1x64x512xf32, #tpu.memory_space<vmem>>
          %get3A_1425 = tpu.memref_squeeze %get3A_1424 : memref<1x64x512xf32, #tpu.memory_space<vmem>> -> memref<64x512xf32, #tpu.memory_space<vmem>>
          %get3A_1426 = arith.index_cast %get3A_1421 : i32 to index
          %get3A_1427 = arith.index_cast %mul3A_1084 : i32 to index
          %get3A_1428 = tpu.vector_load %get3A_1425[%get3A_1426, %get3A_1427] {strides = array<i32>} : memref<64x512xf32, #tpu.memory_space<vmem>>, vector<16xf32>,
          %gt3A_1429 = arith.cmpf ogt, %get3A_1428, %select_n3A_1417 : vector<16xf32>
          %select_n3A_1430 = arith.select %gt3A_1429, %get3A_1428, %select_n3A_1417 : vector<16xi1>, vector<16xf32>
          %jit3A_1431 = arith.constant 27 : i32
          %broadcast_in_dim3A_1432 = vector.broadcast %jit3A_1431 : i32 to vector<16xi32>
          %select_n3A_1433 = arith.select %gt3A_1429, %broadcast_in_dim3A_1432, %select_n3A_1420 : vector<16xi1>, vector<16xi32>
          %get3A_1434 = arith.constant 28 : i32
          %get3A_1435 = arith.constant 0 : i32
          %get3A_1436 = arith.constant 0 : i32
          %get3A_1437 = tpu.memref_slice %run_scoped3A[%rem3A_599, %get3A_1435, %get3A_1436] : memref<2x64x512xf32, #tpu.memory_space<vmem>> -> memref<1x64x512xf32, #tpu.memory_space<vmem>>
          %get3A_1438 = tpu.memref_squeeze %get3A_1437 : memref<1x64x512xf32, #tpu.memory_space<vmem>> -> memref<64x512xf32, #tpu.memory_space<vmem>>
          %get3A_1439 = arith.index_cast %get3A_1434 : i32 to index
          %get3A_1440 = arith.index_cast %mul3A_1084 : i32 to index
          %get3A_1441 = tpu.vector_load %get3A_1438[%get3A_1439, %get3A_1440] {strides = array<i32>} : memref<64x512xf32, #tpu.memory_space<vmem>>, vector<16xf32>,
          %gt3A_1442 = arith.cmpf ogt, %get3A_1441, %select_n3A_1430 : vector<16xf32>
          %select_n3A_1443 = arith.select %gt3A_1442, %get3A_1441, %select_n3A_1430 : vector<16xi1>, vector<16xf32>
          %jit3A_1444 = arith.constant 28 : i32
          %broadcast_in_dim3A_1445 = vector.broadcast %jit3A_1444 : i32 to vector<16xi32>
          %select_n3A_1446 = arith.select %gt3A_1442, %broadcast_in_dim3A_1445, %select_n3A_1433 : vector<16xi1>, vector<16xi32>
          %get3A_1447 = arith.constant 29 : i32
          %get3A_1448 = arith.constant 0 : i32
          %get3A_1449 = arith.constant 0 : i32
          %get3A_1450 = tpu.memref_slice %run_scoped3A[%rem3A_599, %get3A_1448, %get3A_1449] : memref<2x64x512xf32, #tpu.memory_space<vmem>> -> memref<1x64x512xf32, #tpu.memory_space<vmem>>
          %get3A_1451 = tpu.memref_squeeze %get3A_1450 : memref<1x64x512xf32, #tpu.memory_space<vmem>> -> memref<64x512xf32, #tpu.memory_space<vmem>>
          %get3A_1452 = arith.index_cast %get3A_1447 : i32 to index
          %get3A_1453 = arith.index_cast %mul3A_1084 : i32 to index
          %get3A_1454 = tpu.vector_load %get3A_1451[%get3A_1452, %get3A_1453] {strides = array<i32>} : memref<64x512xf32, #tpu.memory_space<vmem>>, vector<16xf32>,
          %gt3A_1455 = arith.cmpf ogt, %get3A_1454, %select_n3A_1443 : vector<16xf32>
          %select_n3A_1456 = arith.select %gt3A_1455, %get3A_1454, %select_n3A_1443 : vector<16xi1>, vector<16xf32>
          %jit3A_1457 = arith.constant 29 : i32
          %broadcast_in_dim3A_1458 = vector.broadcast %jit3A_1457 : i32 to vector<16xi32>
          %select_n3A_1459 = arith.select %gt3A_1455, %broadcast_in_dim3A_1458, %select_n3A_1446 : vector<16xi1>, vector<16xi32>
          %get3A_1460 = arith.constant 30 : i32
          %get3A_1461 = arith.constant 0 : i32
          %get3A_1462 = arith.constant 0 : i32
          %get3A_1463 = tpu.memref_slice %run_scoped3A[%rem3A_599, %get3A_1461, %get3A_1462] : memref<2x64x512xf32, #tpu.memory_space<vmem>> -> memref<1x64x512xf32, #tpu.memory_space<vmem>>
          %get3A_1464 = tpu.memref_squeeze %get3A_1463 : memref<1x64x512xf32, #tpu.memory_space<vmem>> -> memref<64x512xf32, #tpu.memory_space<vmem>>
          %get3A_1465 = arith.index_cast %get3A_1460 : i32 to index
          %get3A_1466 = arith.index_cast %mul3A_1084 : i32 to index
          %get3A_1467 = tpu.vector_load %get3A_1464[%get3A_1465, %get3A_1466] {strides = array<i32>} : memref<64x512xf32, #tpu.memory_space<vmem>>, vector<16xf32>,
          %gt3A_1468 = arith.cmpf ogt, %get3A_1467, %select_n3A_1456 : vector<16xf32>
          %select_n3A_1469 = arith.select %gt3A_1468, %get3A_1467, %select_n3A_1456 : vector<16xi1>, vector<16xf32>
          %jit3A_1470 = arith.constant 30 : i32
          %broadcast_in_dim3A_1471 = vector.broadcast %jit3A_1470 : i32 to vector<16xi32>
          %select_n3A_1472 = arith.select %gt3A_1468, %broadcast_in_dim3A_1471, %select_n3A_1459 : vector<16xi1>, vector<16xi32>
          %get3A_1473 = arith.constant 31 : i32
          %get3A_1474 = arith.constant 0 : i32
          %get3A_1475 = arith.constant 0 : i32
          %get3A_1476 = tpu.memref_slice %run_scoped3A[%rem3A_599, %get3A_1474, %get3A_1475] : memref<2x64x512xf32, #tpu.memory_space<vmem>> -> memref<1x64x512xf32, #tpu.memory_space<vmem>>
          %get3A_1477 = tpu.memref_squeeze %get3A_1476 : memref<1x64x512xf32, #tpu.memory_space<vmem>> -> memref<64x512xf32, #tpu.memory_space<vmem>>
          %get3A_1478 = arith.index_cast %get3A_1473 : i32 to index
          %get3A_1479 = arith.index_cast %mul3A_1084 : i32 to index
          %get3A_1480 = tpu.vector_load %get3A_1477[%get3A_1478, %get3A_1479] {strides = array<i32>} : memref<64x512xf32, #tpu.memory_space<vmem>>, vector<16xf32>,
          %gt3A_1481 = arith.cmpf ogt, %get3A_1480, %select_n3A_1469 : vector<16xf32>
          %select_n3A_1482 = arith.select %gt3A_1481, %get3A_1480, %select_n3A_1469 : vector<16xi1>, vector<16xf32>
          %jit3A_1483 = arith.constant 31 : i32
          %broadcast_in_dim3A_1484 = vector.broadcast %jit3A_1483 : i32 to vector<16xi32>
          %select_n3A_1485 = arith.select %gt3A_1481, %broadcast_in_dim3A_1484, %select_n3A_1472 : vector<16xi1>, vector<16xi32>
          %get3A_1486 = arith.constant 32 : i32
          %get3A_1487 = arith.constant 0 : i32
          %get3A_1488 = arith.constant 0 : i32
          %get3A_1489 = tpu.memref_slice %run_scoped3A[%rem3A_599, %get3A_1487, %get3A_1488] : memref<2x64x512xf32, #tpu.memory_space<vmem>> -> memref<1x64x512xf32, #tpu.memory_space<vmem>>
          %get3A_1490 = tpu.memref_squeeze %get3A_1489 : memref<1x64x512xf32, #tpu.memory_space<vmem>> -> memref<64x512xf32, #tpu.memory_space<vmem>>
          %get3A_1491 = arith.index_cast %get3A_1486 : i32 to index
          %get3A_1492 = arith.index_cast %mul3A_1084 : i32 to index
          %get3A_1493 = tpu.vector_load %get3A_1490[%get3A_1491, %get3A_1492] {strides = array<i32>} : memref<64x512xf32, #tpu.memory_space<vmem>>, vector<16xf32>,
          %broadcast_in_dim3A_1494 = arith.constant 32 : i32
          %broadcast_in_dim3A_1495 = vector.broadcast %broadcast_in_dim3A_1494 : i32 to vector<16xi32>
          %get3A_1496 = arith.constant 33 : i32
          %get3A_1497 = arith.constant 0 : i32
          %get3A_1498 = arith.constant 0 : i32
          %get3A_1499 = tpu.memref_slice %run_scoped3A[%rem3A_599, %get3A_1497, %get3A_1498] : memref<2x64x512xf32, #tpu.memory_space<vmem>> -> memref<1x64x512xf32, #tpu.memory_space<vmem>>
          %get3A_1500 = tpu.memref_squeeze %get3A_1499 : memref<1x64x512xf32, #tpu.memory_space<vmem>> -> memref<64x512xf32, #tpu.memory_space<vmem>>
          %get3A_1501 = arith.index_cast %get3A_1496 : i32 to index
          %get3A_1502 = arith.index_cast %mul3A_1084 : i32 to index
          %get3A_1503 = tpu.vector_load %get3A_1500[%get3A_1501, %get3A_1502] {strides = array<i32>} : memref<64x512xf32, #tpu.memory_space<vmem>>, vector<16xf32>,
          %gt3A_1504 = arith.cmpf ogt, %get3A_1503, %get3A_1493 : vector<16xf32>
          %select_n3A_1505 = arith.select %gt3A_1504, %get3A_1503, %get3A_1493 : vector<16xi1>, vector<16xf32>
          %jit3A_1506 = arith.constant 33 : i32
          %broadcast_in_dim3A_1507 = vector.broadcast %jit3A_1506 : i32 to vector<16xi32>
          %select_n3A_1508 = arith.select %gt3A_1504, %broadcast_in_dim3A_1507, %broadcast_in_dim3A_1495 : vector<16xi1>, vector<16xi32>
          %get3A_1509 = arith.constant 34 : i32
          %get3A_1510 = arith.constant 0 : i32
          %get3A_1511 = arith.constant 0 : i32
          %get3A_1512 = tpu.memref_slice %run_scoped3A[%rem3A_599, %get3A_1510, %get3A_1511] : memref<2x64x512xf32, #tpu.memory_space<vmem>> -> memref<1x64x512xf32, #tpu.memory_space<vmem>>
          %get3A_1513 = tpu.memref_squeeze %get3A_1512 : memref<1x64x512xf32, #tpu.memory_space<vmem>> -> memref<64x512xf32, #tpu.memory_space<vmem>>
          %get3A_1514 = arith.index_cast %get3A_1509 : i32 to index
          %get3A_1515 = arith.index_cast %mul3A_1084 : i32 to index
          %get3A_1516 = tpu.vector_load %get3A_1513[%get3A_1514, %get3A_1515] {strides = array<i32>} : memref<64x512xf32, #tpu.memory_space<vmem>>, vector<16xf32>,
          %gt3A_1517 = arith.cmpf ogt, %get3A_1516, %select_n3A_1505 : vector<16xf32>
          %select_n3A_1518 = arith.select %gt3A_1517, %get3A_1516, %select_n3A_1505 : vector<16xi1>, vector<16xf32>
          %jit3A_1519 = arith.constant 34 : i32
          %broadcast_in_dim3A_1520 = vector.broadcast %jit3A_1519 : i32 to vector<16xi32>
          %select_n3A_1521 = arith.select %gt3A_1517, %broadcast_in_dim3A_1520, %select_n3A_1508 : vector<16xi1>, vector<16xi32>
          %get3A_1522 = arith.constant 35 : i32
          %get3A_1523 = arith.constant 0 : i32
          %get3A_1524 = arith.constant 0 : i32
          %get3A_1525 = tpu.memref_slice %run_scoped3A[%rem3A_599, %get3A_1523, %get3A_1524] : memref<2x64x512xf32, #tpu.memory_space<vmem>> -> memref<1x64x512xf32, #tpu.memory_space<vmem>>
          %get3A_1526 = tpu.memref_squeeze %get3A_1525 : memref<1x64x512xf32, #tpu.memory_space<vmem>> -> memref<64x512xf32, #tpu.memory_space<vmem>>
          %get3A_1527 = arith.index_cast %get3A_1522 : i32 to index
          %get3A_1528 = arith.index_cast %mul3A_1084 : i32 to index
          %get3A_1529 = tpu.vector_load %get3A_1526[%get3A_1527, %get3A_1528] {strides = array<i32>} : memref<64x512xf32, #tpu.memory_space<vmem>>, vector<16xf32>,
          %gt3A_1530 = arith.cmpf ogt, %get3A_1529, %select_n3A_1518 : vector<16xf32>
          %select_n3A_1531 = arith.select %gt3A_1530, %get3A_1529, %select_n3A_1518 : vector<16xi1>, vector<16xf32>
          %jit3A_1532 = arith.constant 35 : i32
          %broadcast_in_dim3A_1533 = vector.broadcast %jit3A_1532 : i32 to vector<16xi32>
          %select_n3A_1534 = arith.select %gt3A_1530, %broadcast_in_dim3A_1533, %select_n3A_1521 : vector<16xi1>, vector<16xi32>
          %get3A_1535 = arith.constant 36 : i32
          %get3A_1536 = arith.constant 0 : i32
          %get3A_1537 = arith.constant 0 : i32
          %get3A_1538 = tpu.memref_slice %run_scoped3A[%rem3A_599, %get3A_1536, %get3A_1537] : memref<2x64x512xf32, #tpu.memory_space<vmem>> -> memref<1x64x512xf32, #tpu.memory_space<vmem>>
          %get3A_1539 = tpu.memref_squeeze %get3A_1538 : memref<1x64x512xf32, #tpu.memory_space<vmem>> -> memref<64x512xf32, #tpu.memory_space<vmem>>
          %get3A_1540 = arith.index_cast %get3A_1535 : i32 to index
          %get3A_1541 = arith.index_cast %mul3A_1084 : i32 to index
          %get3A_1542 = tpu.vector_load %get3A_1539[%get3A_1540, %get3A_1541] {strides = array<i32>} : memref<64x512xf32, #tpu.memory_space<vmem>>, vector<16xf32>,
          %gt3A_1543 = arith.cmpf ogt, %get3A_1542, %select_n3A_1531 : vector<16xf32>
          %select_n3A_1544 = arith.select %gt3A_1543, %get3A_1542, %select_n3A_1531 : vector<16xi1>, vector<16xf32>
          %jit3A_1545 = arith.constant 36 : i32
          %broadcast_in_dim3A_1546 = vector.broadcast %jit3A_1545 : i32 to vector<16xi32>
          %select_n3A_1547 = arith.select %gt3A_1543, %broadcast_in_dim3A_1546, %select_n3A_1534 : vector<16xi1>, vector<16xi32>
          %get3A_1548 = arith.constant 37 : i32
          %get3A_1549 = arith.constant 0 : i32
          %get3A_1550 = arith.constant 0 : i32
          %get3A_1551 = tpu.memref_slice %run_scoped3A[%rem3A_599, %get3A_1549, %get3A_1550] : memref<2x64x512xf32, #tpu.memory_space<vmem>> -> memref<1x64x512xf32, #tpu.memory_space<vmem>>
          %get3A_1552 = tpu.memref_squeeze %get3A_1551 : memref<1x64x512xf32, #tpu.memory_space<vmem>> -> memref<64x512xf32, #tpu.memory_space<vmem>>
          %get3A_1553 = arith.index_cast %get3A_1548 : i32 to index
          %get3A_1554 = arith.index_cast %mul3A_1084 : i32 to index
          %get3A_1555 = tpu.vector_load %get3A_1552[%get3A_1553, %get3A_1554] {strides = array<i32>} : memref<64x512xf32, #tpu.memory_space<vmem>>, vector<16xf32>,
          %gt3A_1556 = arith.cmpf ogt, %get3A_1555, %select_n3A_1544 : vector<16xf32>
          %select_n3A_1557 = arith.select %gt3A_1556, %get3A_1555, %select_n3A_1544 : vector<16xi1>, vector<16xf32>
          %jit3A_1558 = arith.constant 37 : i32
          %broadcast_in_dim3A_1559 = vector.broadcast %jit3A_1558 : i32 to vector<16xi32>
          %select_n3A_1560 = arith.select %gt3A_1556, %broadcast_in_dim3A_1559, %select_n3A_1547 : vector<16xi1>, vector<16xi32>
          %get3A_1561 = arith.constant 38 : i32
          %get3A_1562 = arith.constant 0 : i32
          %get3A_1563 = arith.constant 0 : i32
          %get3A_1564 = tpu.memref_slice %run_scoped3A[%rem3A_599, %get3A_1562, %get3A_1563] : memref<2x64x512xf32, #tpu.memory_space<vmem>> -> memref<1x64x512xf32, #tpu.memory_space<vmem>>
          %get3A_1565 = tpu.memref_squeeze %get3A_1564 : memref<1x64x512xf32, #tpu.memory_space<vmem>> -> memref<64x512xf32, #tpu.memory_space<vmem>>
          %get3A_1566 = arith.index_cast %get3A_1561 : i32 to index
          %get3A_1567 = arith.index_cast %mul3A_1084 : i32 to index
          %get3A_1568 = tpu.vector_load %get3A_1565[%get3A_1566, %get3A_1567] {strides = array<i32>} : memref<64x512xf32, #tpu.memory_space<vmem>>, vector<16xf32>,
          %gt3A_1569 = arith.cmpf ogt, %get3A_1568, %select_n3A_1557 : vector<16xf32>
          %select_n3A_1570 = arith.select %gt3A_1569, %get3A_1568, %select_n3A_1557 : vector<16xi1>, vector<16xf32>
          %jit3A_1571 = arith.constant 38 : i32
          %broadcast_in_dim3A_1572 = vector.broadcast %jit3A_1571 : i32 to vector<16xi32>
          %select_n3A_1573 = arith.select %gt3A_1569, %broadcast_in_dim3A_1572, %select_n3A_1560 : vector<16xi1>, vector<16xi32>
          %get3A_1574 = arith.constant 39 : i32
          %get3A_1575 = arith.constant 0 : i32
          %get3A_1576 = arith.constant 0 : i32
          %get3A_1577 = tpu.memref_slice %run_scoped3A[%rem3A_599, %get3A_1575, %get3A_1576] : memref<2x64x512xf32, #tpu.memory_space<vmem>> -> memref<1x64x512xf32, #tpu.memory_space<vmem>>
          %get3A_1578 = tpu.memref_squeeze %get3A_1577 : memref<1x64x512xf32, #tpu.memory_space<vmem>> -> memref<64x512xf32, #tpu.memory_space<vmem>>
          %get3A_1579 = arith.index_cast %get3A_1574 : i32 to index
          %get3A_1580 = arith.index_cast %mul3A_1084 : i32 to index
          %get3A_1581 = tpu.vector_load %get3A_1578[%get3A_1579, %get3A_1580] {strides = array<i32>} : memref<64x512xf32, #tpu.memory_space<vmem>>, vector<16xf32>,
          %gt3A_1582 = arith.cmpf ogt, %get3A_1581, %select_n3A_1570 : vector<16xf32>
          %select_n3A_1583 = arith.select %gt3A_1582, %get3A_1581, %select_n3A_1570 : vector<16xi1>, vector<16xf32>
          %jit3A_1584 = arith.constant 39 : i32
          %broadcast_in_dim3A_1585 = vector.broadcast %jit3A_1584 : i32 to vector<16xi32>
          %select_n3A_1586 = arith.select %gt3A_1582, %broadcast_in_dim3A_1585, %select_n3A_1573 : vector<16xi1>, vector<16xi32>
          %get3A_1587 = arith.constant 40 : i32
          %get3A_1588 = arith.constant 0 : i32
          %get3A_1589 = arith.constant 0 : i32
          %get3A_1590 = tpu.memref_slice %run_scoped3A[%rem3A_599, %get3A_1588, %get3A_1589] : memref<2x64x512xf32, #tpu.memory_space<vmem>> -> memref<1x64x512xf32, #tpu.memory_space<vmem>>
          %get3A_1591 = tpu.memref_squeeze %get3A_1590 : memref<1x64x512xf32, #tpu.memory_space<vmem>> -> memref<64x512xf32, #tpu.memory_space<vmem>>
          %get3A_1592 = arith.index_cast %get3A_1587 : i32 to index
          %get3A_1593 = arith.index_cast %mul3A_1084 : i32 to index
          %get3A_1594 = tpu.vector_load %get3A_1591[%get3A_1592, %get3A_1593] {strides = array<i32>} : memref<64x512xf32, #tpu.memory_space<vmem>>, vector<16xf32>,
          %broadcast_in_dim3A_1595 = arith.constant 40 : i32
          %broadcast_in_dim3A_1596 = vector.broadcast %broadcast_in_dim3A_1595 : i32 to vector<16xi32>
          %get3A_1597 = arith.constant 41 : i32
          %get3A_1598 = arith.constant 0 : i32
          %get3A_1599 = arith.constant 0 : i32
          %get3A_1600 = tpu.memref_slice %run_scoped3A[%rem3A_599, %get3A_1598, %get3A_1599] : memref<2x64x512xf32, #tpu.memory_space<vmem>> -> memref<1x64x512xf32, #tpu.memory_space<vmem>>
          %get3A_1601 = tpu.memref_squeeze %get3A_1600 : memref<1x64x512xf32, #tpu.memory_space<vmem>> -> memref<64x512xf32, #tpu.memory_space<vmem>>
          %get3A_1602 = arith.index_cast %get3A_1597 : i32 to index
          %get3A_1603 = arith.index_cast %mul3A_1084 : i32 to index
          %get3A_1604 = tpu.vector_load %get3A_1601[%get3A_1602, %get3A_1603] {strides = array<i32>} : memref<64x512xf32, #tpu.memory_space<vmem>>, vector<16xf32>,
          %gt3A_1605 = arith.cmpf ogt, %get3A_1604, %get3A_1594 : vector<16xf32>
          %select_n3A_1606 = arith.select %gt3A_1605, %get3A_1604, %get3A_1594 : vector<16xi1>, vector<16xf32>
          %jit3A_1607 = arith.constant 41 : i32
          %broadcast_in_dim3A_1608 = vector.broadcast %jit3A_1607 : i32 to vector<16xi32>
          %select_n3A_1609 = arith.select %gt3A_1605, %broadcast_in_dim3A_1608, %broadcast_in_dim3A_1596 : vector<16xi1>, vector<16xi32>
          %get3A_1610 = arith.constant 42 : i32
          %get3A_1611 = arith.constant 0 : i32
          %get3A_1612 = arith.constant 0 : i32
          %get3A_1613 = tpu.memref_slice %run_scoped3A[%rem3A_599, %get3A_1611, %get3A_1612] : memref<2x64x512xf32, #tpu.memory_space<vmem>> -> memref<1x64x512xf32, #tpu.memory_space<vmem>>
          %get3A_1614 = tpu.memref_squeeze %get3A_1613 : memref<1x64x512xf32, #tpu.memory_space<vmem>> -> memref<64x512xf32, #tpu.memory_space<vmem>>
          %get3A_1615 = arith.index_cast %get3A_1610 : i32 to index
          %get3A_1616 = arith.index_cast %mul3A_1084 : i32 to index
          %get3A_1617 = tpu.vector_load %get3A_1614[%get3A_1615, %get3A_1616] {strides = array<i32>} : memref<64x512xf32, #tpu.memory_space<vmem>>, vector<16xf32>,
          %gt3A_1618 = arith.cmpf ogt, %get3A_1617, %select_n3A_1606 : vector<16xf32>
          %select_n3A_1619 = arith.select %gt3A_1618, %get3A_1617, %select_n3A_1606 : vector<16xi1>, vector<16xf32>
          %jit3A_1620 = arith.constant 42 : i32
          %broadcast_in_dim3A_1621 = vector.broadcast %jit3A_1620 : i32 to vector<16xi32>
          %select_n3A_1622 = arith.select %gt3A_1618, %broadcast_in_dim3A_1621, %select_n3A_1609 : vector<16xi1>, vector<16xi32>
          %get3A_1623 = arith.constant 43 : i32
          %get3A_1624 = arith.constant 0 : i32
          %get3A_1625 = arith.constant 0 : i32
          %get3A_1626 = tpu.memref_slice %run_scoped3A[%rem3A_599, %get3A_1624, %get3A_1625] : memref<2x64x512xf32, #tpu.memory_space<vmem>> -> memref<1x64x512xf32, #tpu.memory_space<vmem>>
          %get3A_1627 = tpu.memref_squeeze %get3A_1626 : memref<1x64x512xf32, #tpu.memory_space<vmem>> -> memref<64x512xf32, #tpu.memory_space<vmem>>
          %get3A_1628 = arith.index_cast %get3A_1623 : i32 to index
          %get3A_1629 = arith.index_cast %mul3A_1084 : i32 to index
          %get3A_1630 = tpu.vector_load %get3A_1627[%get3A_1628, %get3A_1629] {strides = array<i32>} : memref<64x512xf32, #tpu.memory_space<vmem>>, vector<16xf32>,
          %gt3A_1631 = arith.cmpf ogt, %get3A_1630, %select_n3A_1619 : vector<16xf32>
          %select_n3A_1632 = arith.select %gt3A_1631, %get3A_1630, %select_n3A_1619 : vector<16xi1>, vector<16xf32>
          %jit3A_1633 = arith.constant 43 : i32
          %broadcast_in_dim3A_1634 = vector.broadcast %jit3A_1633 : i32 to vector<16xi32>
          %select_n3A_1635 = arith.select %gt3A_1631, %broadcast_in_dim3A_1634, %select_n3A_1622 : vector<16xi1>, vector<16xi32>
          %get3A_1636 = arith.constant 44 : i32
          %get3A_1637 = arith.constant 0 : i32
          %get3A_1638 = arith.constant 0 : i32
          %get3A_1639 = tpu.memref_slice %run_scoped3A[%rem3A_599, %get3A_1637, %get3A_1638] : memref<2x64x512xf32, #tpu.memory_space<vmem>> -> memref<1x64x512xf32, #tpu.memory_space<vmem>>
          %get3A_1640 = tpu.memref_squeeze %get3A_1639 : memref<1x64x512xf32, #tpu.memory_space<vmem>> -> memref<64x512xf32, #tpu.memory_space<vmem>>
          %get3A_1641 = arith.index_cast %get3A_1636 : i32 to index
          %get3A_1642 = arith.index_cast %mul3A_1084 : i32 to index
          %get3A_1643 = tpu.vector_load %get3A_1640[%get3A_1641, %get3A_1642] {strides = array<i32>} : memref<64x512xf32, #tpu.memory_space<vmem>>, vector<16xf32>,
          %gt3A_1644 = arith.cmpf ogt, %get3A_1643, %select_n3A_1632 : vector<16xf32>
          %select_n3A_1645 = arith.select %gt3A_1644, %get3A_1643, %select_n3A_1632 : vector<16xi1>, vector<16xf32>
          %jit3A_1646 = arith.constant 44 : i32
          %broadcast_in_dim3A_1647 = vector.broadcast %jit3A_1646 : i32 to vector<16xi32>
          %select_n3A_1648 = arith.select %gt3A_1644, %broadcast_in_dim3A_1647, %select_n3A_1635 : vector<16xi1>, vector<16xi32>
          %get3A_1649 = arith.constant 45 : i32
          %get3A_1650 = arith.constant 0 : i32
          %get3A_1651 = arith.constant 0 : i32
          %get3A_1652 = tpu.memref_slice %run_scoped3A[%rem3A_599, %get3A_1650, %get3A_1651] : memref<2x64x512xf32, #tpu.memory_space<vmem>> -> memref<1x64x512xf32, #tpu.memory_space<vmem>>
          %get3A_1653 = tpu.memref_squeeze %get3A_1652 : memref<1x64x512xf32, #tpu.memory_space<vmem>> -> memref<64x512xf32, #tpu.memory_space<vmem>>
          %get3A_1654 = arith.index_cast %get3A_1649 : i32 to index
          %get3A_1655 = arith.index_cast %mul3A_1084 : i32 to index
          %get3A_1656 = tpu.vector_load %get3A_1653[%get3A_1654, %get3A_1655] {strides = array<i32>} : memref<64x512xf32, #tpu.memory_space<vmem>>, vector<16xf32>,
          %gt3A_1657 = arith.cmpf ogt, %get3A_1656, %select_n3A_1645 : vector<16xf32>
          %select_n3A_1658 = arith.select %gt3A_1657, %get3A_1656, %select_n3A_1645 : vector<16xi1>, vector<16xf32>
          %jit3A_1659 = arith.constant 45 : i32
          %broadcast_in_dim3A_1660 = vector.broadcast %jit3A_1659 : i32 to vector<16xi32>
          %select_n3A_1661 = arith.select %gt3A_1657, %broadcast_in_dim3A_1660, %select_n3A_1648 : vector<16xi1>, vector<16xi32>
          %get3A_1662 = arith.constant 46 : i32
          %get3A_1663 = arith.constant 0 : i32
          %get3A_1664 = arith.constant 0 : i32
          %get3A_1665 = tpu.memref_slice %run_scoped3A[%rem3A_599, %get3A_1663, %get3A_1664] : memref<2x64x512xf32, #tpu.memory_space<vmem>> -> memref<1x64x512xf32, #tpu.memory_space<vmem>>
          %get3A_1666 = tpu.memref_squeeze %get3A_1665 : memref<1x64x512xf32, #tpu.memory_space<vmem>> -> memref<64x512xf32, #tpu.memory_space<vmem>>
          %get3A_1667 = arith.index_cast %get3A_1662 : i32 to index
          %get3A_1668 = arith.index_cast %mul3A_1084 : i32 to index
          %get3A_1669 = tpu.vector_load %get3A_1666[%get3A_1667, %get3A_1668] {strides = array<i32>} : memref<64x512xf32, #tpu.memory_space<vmem>>, vector<16xf32>,
          %gt3A_1670 = arith.cmpf ogt, %get3A_1669, %select_n3A_1658 : vector<16xf32>
          %select_n3A_1671 = arith.select %gt3A_1670, %get3A_1669, %select_n3A_1658 : vector<16xi1>, vector<16xf32>
          %jit3A_1672 = arith.constant 46 : i32
          %broadcast_in_dim3A_1673 = vector.broadcast %jit3A_1672 : i32 to vector<16xi32>
          %select_n3A_1674 = arith.select %gt3A_1670, %broadcast_in_dim3A_1673, %select_n3A_1661 : vector<16xi1>, vector<16xi32>
          %get3A_1675 = arith.constant 47 : i32
          %get3A_1676 = arith.constant 0 : i32
          %get3A_1677 = arith.constant 0 : i32
          %get3A_1678 = tpu.memref_slice %run_scoped3A[%rem3A_599, %get3A_1676, %get3A_1677] : memref<2x64x512xf32, #tpu.memory_space<vmem>> -> memref<1x64x512xf32, #tpu.memory_space<vmem>>
          %get3A_1679 = tpu.memref_squeeze %get3A_1678 : memref<1x64x512xf32, #tpu.memory_space<vmem>> -> memref<64x512xf32, #tpu.memory_space<vmem>>
          %get3A_1680 = arith.index_cast %get3A_1675 : i32 to index
          %get3A_1681 = arith.index_cast %mul3A_1084 : i32 to index
          %get3A_1682 = tpu.vector_load %get3A_1679[%get3A_1680, %get3A_1681] {strides = array<i32>} : memref<64x512xf32, #tpu.memory_space<vmem>>, vector<16xf32>,
          %gt3A_1683 = arith.cmpf ogt, %get3A_1682, %select_n3A_1671 : vector<16xf32>
          %select_n3A_1684 = arith.select %gt3A_1683, %get3A_1682, %select_n3A_1671 : vector<16xi1>, vector<16xf32>
          %jit3A_1685 = arith.constant 47 : i32
          %broadcast_in_dim3A_1686 = vector.broadcast %jit3A_1685 : i32 to vector<16xi32>
          %select_n3A_1687 = arith.select %gt3A_1683, %broadcast_in_dim3A_1686, %select_n3A_1674 : vector<16xi1>, vector<16xi32>
          %get3A_1688 = arith.constant 48 : i32
          %get3A_1689 = arith.constant 0 : i32
          %get3A_1690 = arith.constant 0 : i32
          %get3A_1691 = tpu.memref_slice %run_scoped3A[%rem3A_599, %get3A_1689, %get3A_1690] : memref<2x64x512xf32, #tpu.memory_space<vmem>> -> memref<1x64x512xf32, #tpu.memory_space<vmem>>
          %get3A_1692 = tpu.memref_squeeze %get3A_1691 : memref<1x64x512xf32, #tpu.memory_space<vmem>> -> memref<64x512xf32, #tpu.memory_space<vmem>>
          %get3A_1693 = arith.index_cast %get3A_1688 : i32 to index
          %get3A_1694 = arith.index_cast %mul3A_1084 : i32 to index
          %get3A_1695 = tpu.vector_load %get3A_1692[%get3A_1693, %get3A_1694] {strides = array<i32>} : memref<64x512xf32, #tpu.memory_space<vmem>>, vector<16xf32>,
          %broadcast_in_dim3A_1696 = arith.constant 48 : i32
          %broadcast_in_dim3A_1697 = vector.broadcast %broadcast_in_dim3A_1696 : i32 to vector<16xi32>
          %get3A_1698 = arith.constant 49 : i32
          %get3A_1699 = arith.constant 0 : i32
          %get3A_1700 = arith.constant 0 : i32
          %get3A_1701 = tpu.memref_slice %run_scoped3A[%rem3A_599, %get3A_1699, %get3A_1700] : memref<2x64x512xf32, #tpu.memory_space<vmem>> -> memref<1x64x512xf32, #tpu.memory_space<vmem>>
          %get3A_1702 = tpu.memref_squeeze %get3A_1701 : memref<1x64x512xf32, #tpu.memory_space<vmem>> -> memref<64x512xf32, #tpu.memory_space<vmem>>
          %get3A_1703 = arith.index_cast %get3A_1698 : i32 to index
          %get3A_1704 = arith.index_cast %mul3A_1084 : i32 to index
          %get3A_1705 = tpu.vector_load %get3A_1702[%get3A_1703, %get3A_1704] {strides = array<i32>} : memref<64x512xf32, #tpu.memory_space<vmem>>, vector<16xf32>,
          %gt3A_1706 = arith.cmpf ogt, %get3A_1705, %get3A_1695 : vector<16xf32>
          %select_n3A_1707 = arith.select %gt3A_1706, %get3A_1705, %get3A_1695 : vector<16xi1>, vector<16xf32>
          %jit3A_1708 = arith.constant 49 : i32
          %broadcast_in_dim3A_1709 = vector.broadcast %jit3A_1708 : i32 to vector<16xi32>
          %select_n3A_1710 = arith.select %gt3A_1706, %broadcast_in_dim3A_1709, %broadcast_in_dim3A_1697 : vector<16xi1>, vector<16xi32>
          %get3A_1711 = arith.constant 50 : i32
          %get3A_1712 = arith.constant 0 : i32
          %get3A_1713 = arith.constant 0 : i32
          %get3A_1714 = tpu.memref_slice %run_scoped3A[%rem3A_599, %get3A_1712, %get3A_1713] : memref<2x64x512xf32, #tpu.memory_space<vmem>> -> memref<1x64x512xf32, #tpu.memory_space<vmem>>
          %get3A_1715 = tpu.memref_squeeze %get3A_1714 : memref<1x64x512xf32, #tpu.memory_space<vmem>> -> memref<64x512xf32, #tpu.memory_space<vmem>>
          %get3A_1716 = arith.index_cast %get3A_1711 : i32 to index
          %get3A_1717 = arith.index_cast %mul3A_1084 : i32 to index
          %get3A_1718 = tpu.vector_load %get3A_1715[%get3A_1716, %get3A_1717] {strides = array<i32>} : memref<64x512xf32, #tpu.memory_space<vmem>>, vector<16xf32>,
          %gt3A_1719 = arith.cmpf ogt, %get3A_1718, %select_n3A_1707 : vector<16xf32>
          %select_n3A_1720 = arith.select %gt3A_1719, %get3A_1718, %select_n3A_1707 : vector<16xi1>, vector<16xf32>
          %jit3A_1721 = arith.constant 50 : i32
          %broadcast_in_dim3A_1722 = vector.broadcast %jit3A_1721 : i32 to vector<16xi32>
          %select_n3A_1723 = arith.select %gt3A_1719, %broadcast_in_dim3A_1722, %select_n3A_1710 : vector<16xi1>, vector<16xi32>
          %get3A_1724 = arith.constant 51 : i32
          %get3A_1725 = arith.constant 0 : i32
          %get3A_1726 = arith.constant 0 : i32
          %get3A_1727 = tpu.memref_slice %run_scoped3A[%rem3A_599, %get3A_1725, %get3A_1726] : memref<2x64x512xf32, #tpu.memory_space<vmem>> -> memref<1x64x512xf32, #tpu.memory_space<vmem>>
          %get3A_1728 = tpu.memref_squeeze %get3A_1727 : memref<1x64x512xf32, #tpu.memory_space<vmem>> -> memref<64x512xf32, #tpu.memory_space<vmem>>
          %get3A_1729 = arith.index_cast %get3A_1724 : i32 to index
          %get3A_1730 = arith.index_cast %mul3A_1084 : i32 to index
          %get3A_1731 = tpu.vector_load %get3A_1728[%get3A_1729, %get3A_1730] {strides = array<i32>} : memref<64x512xf32, #tpu.memory_space<vmem>>, vector<16xf32>,
          %gt3A_1732 = arith.cmpf ogt, %get3A_1731, %select_n3A_1720 : vector<16xf32>
          %select_n3A_1733 = arith.select %gt3A_1732, %get3A_1731, %select_n3A_1720 : vector<16xi1>, vector<16xf32>
          %jit3A_1734 = arith.constant 51 : i32
          %broadcast_in_dim3A_1735 = vector.broadcast %jit3A_1734 : i32 to vector<16xi32>
          %select_n3A_1736 = arith.select %gt3A_1732, %broadcast_in_dim3A_1735, %select_n3A_1723 : vector<16xi1>, vector<16xi32>
          %get3A_1737 = arith.constant 52 : i32
          %get3A_1738 = arith.constant 0 : i32
          %get3A_1739 = arith.constant 0 : i32
          %get3A_1740 = tpu.memref_slice %run_scoped3A[%rem3A_599, %get3A_1738, %get3A_1739] : memref<2x64x512xf32, #tpu.memory_space<vmem>> -> memref<1x64x512xf32, #tpu.memory_space<vmem>>
          %get3A_1741 = tpu.memref_squeeze %get3A_1740 : memref<1x64x512xf32, #tpu.memory_space<vmem>> -> memref<64x512xf32, #tpu.memory_space<vmem>>
          %get3A_1742 = arith.index_cast %get3A_1737 : i32 to index
          %get3A_1743 = arith.index_cast %mul3A_1084 : i32 to index
          %get3A_1744 = tpu.vector_load %get3A_1741[%get3A_1742, %get3A_1743] {strides = array<i32>} : memref<64x512xf32, #tpu.memory_space<vmem>>, vector<16xf32>,
          %gt3A_1745 = arith.cmpf ogt, %get3A_1744, %select_n3A_1733 : vector<16xf32>
          %select_n3A_1746 = arith.select %gt3A_1745, %get3A_1744, %select_n3A_1733 : vector<16xi1>, vector<16xf32>
          %jit3A_1747 = arith.constant 52 : i32
          %broadcast_in_dim3A_1748 = vector.broadcast %jit3A_1747 : i32 to vector<16xi32>
          %select_n3A_1749 = arith.select %gt3A_1745, %broadcast_in_dim3A_1748, %select_n3A_1736 : vector<16xi1>, vector<16xi32>
          %get3A_1750 = arith.constant 53 : i32
          %get3A_1751 = arith.constant 0 : i32
          %get3A_1752 = arith.constant 0 : i32
          %get3A_1753 = tpu.memref_slice %run_scoped3A[%rem3A_599, %get3A_1751, %get3A_1752] : memref<2x64x512xf32, #tpu.memory_space<vmem>> -> memref<1x64x512xf32, #tpu.memory_space<vmem>>
          %get3A_1754 = tpu.memref_squeeze %get3A_1753 : memref<1x64x512xf32, #tpu.memory_space<vmem>> -> memref<64x512xf32, #tpu.memory_space<vmem>>
          %get3A_1755 = arith.index_cast %get3A_1750 : i32 to index
          %get3A_1756 = arith.index_cast %mul3A_1084 : i32 to index
          %get3A_1757 = tpu.vector_load %get3A_1754[%get3A_1755, %get3A_1756] {strides = array<i32>} : memref<64x512xf32, #tpu.memory_space<vmem>>, vector<16xf32>,
          %gt3A_1758 = arith.cmpf ogt, %get3A_1757, %select_n3A_1746 : vector<16xf32>
          %select_n3A_1759 = arith.select %gt3A_1758, %get3A_1757, %select_n3A_1746 : vector<16xi1>, vector<16xf32>
          %jit3A_1760 = arith.constant 53 : i32
          %broadcast_in_dim3A_1761 = vector.broadcast %jit3A_1760 : i32 to vector<16xi32>
          %select_n3A_1762 = arith.select %gt3A_1758, %broadcast_in_dim3A_1761, %select_n3A_1749 : vector<16xi1>, vector<16xi32>
          %get3A_1763 = arith.constant 54 : i32
          %get3A_1764 = arith.constant 0 : i32
          %get3A_1765 = arith.constant 0 : i32
          %get3A_1766 = tpu.memref_slice %run_scoped3A[%rem3A_599, %get3A_1764, %get3A_1765] : memref<2x64x512xf32, #tpu.memory_space<vmem>> -> memref<1x64x512xf32, #tpu.memory_space<vmem>>
          %get3A_1767 = tpu.memref_squeeze %get3A_1766 : memref<1x64x512xf32, #tpu.memory_space<vmem>> -> memref<64x512xf32, #tpu.memory_space<vmem>>
          %get3A_1768 = arith.index_cast %get3A_1763 : i32 to index
          %get3A_1769 = arith.index_cast %mul3A_1084 : i32 to index
          %get3A_1770 = tpu.vector_load %get3A_1767[%get3A_1768, %get3A_1769] {strides = array<i32>} : memref<64x512xf32, #tpu.memory_space<vmem>>, vector<16xf32>,
          %gt3A_1771 = arith.cmpf ogt, %get3A_1770, %select_n3A_1759 : vector<16xf32>
          %select_n3A_1772 = arith.select %gt3A_1771, %get3A_1770, %select_n3A_1759 : vector<16xi1>, vector<16xf32>
          %jit3A_1773 = arith.constant 54 : i32
          %broadcast_in_dim3A_1774 = vector.broadcast %jit3A_1773 : i32 to vector<16xi32>
          %select_n3A_1775 = arith.select %gt3A_1771, %broadcast_in_dim3A_1774, %select_n3A_1762 : vector<16xi1>, vector<16xi32>
          %get3A_1776 = arith.constant 55 : i32
          %get3A_1777 = arith.constant 0 : i32
          %get3A_1778 = arith.constant 0 : i32
          %get3A_1779 = tpu.memref_slice %run_scoped3A[%rem3A_599, %get3A_1777, %get3A_1778] : memref<2x64x512xf32, #tpu.memory_space<vmem>> -> memref<1x64x512xf32, #tpu.memory_space<vmem>>
          %get3A_1780 = tpu.memref_squeeze %get3A_1779 : memref<1x64x512xf32, #tpu.memory_space<vmem>> -> memref<64x512xf32, #tpu.memory_space<vmem>>
          %get3A_1781 = arith.index_cast %get3A_1776 : i32 to index
          %get3A_1782 = arith.index_cast %mul3A_1084 : i32 to index
          %get3A_1783 = tpu.vector_load %get3A_1780[%get3A_1781, %get3A_1782] {strides = array<i32>} : memref<64x512xf32, #tpu.memory_space<vmem>>, vector<16xf32>,
          %gt3A_1784 = arith.cmpf ogt, %get3A_1783, %select_n3A_1772 : vector<16xf32>
          %select_n3A_1785 = arith.select %gt3A_1784, %get3A_1783, %select_n3A_1772 : vector<16xi1>, vector<16xf32>
          %jit3A_1786 = arith.constant 55 : i32
          %broadcast_in_dim3A_1787 = vector.broadcast %jit3A_1786 : i32 to vector<16xi32>
          %select_n3A_1788 = arith.select %gt3A_1784, %broadcast_in_dim3A_1787, %select_n3A_1775 : vector<16xi1>, vector<16xi32>
          %get3A_1789 = arith.constant 56 : i32
          %get3A_1790 = arith.constant 0 : i32
          %get3A_1791 = arith.constant 0 : i32
          %get3A_1792 = tpu.memref_slice %run_scoped3A[%rem3A_599, %get3A_1790, %get3A_1791] : memref<2x64x512xf32, #tpu.memory_space<vmem>> -> memref<1x64x512xf32, #tpu.memory_space<vmem>>
          %get3A_1793 = tpu.memref_squeeze %get3A_1792 : memref<1x64x512xf32, #tpu.memory_space<vmem>> -> memref<64x512xf32, #tpu.memory_space<vmem>>
          %get3A_1794 = arith.index_cast %get3A_1789 : i32 to index
          %get3A_1795 = arith.index_cast %mul3A_1084 : i32 to index
          %get3A_1796 = tpu.vector_load %get3A_1793[%get3A_1794, %get3A_1795] {strides = array<i32>} : memref<64x512xf32, #tpu.memory_space<vmem>>, vector<16xf32>,
          %broadcast_in_dim3A_1797 = arith.constant 56 : i32
          %broadcast_in_dim3A_1798 = vector.broadcast %broadcast_in_dim3A_1797 : i32 to vector<16xi32>
          %get3A_1799 = arith.constant 57 : i32
          %get3A_1800 = arith.constant 0 : i32
          %get3A_1801 = arith.constant 0 : i32
          %get3A_1802 = tpu.memref_slice %run_scoped3A[%rem3A_599, %get3A_1800, %get3A_1801] : memref<2x64x512xf32, #tpu.memory_space<vmem>> -> memref<1x64x512xf32, #tpu.memory_space<vmem>>
          %get3A_1803 = tpu.memref_squeeze %get3A_1802 : memref<1x64x512xf32, #tpu.memory_space<vmem>> -> memref<64x512xf32, #tpu.memory_space<vmem>>
          %get3A_1804 = arith.index_cast %get3A_1799 : i32 to index
          %get3A_1805 = arith.index_cast %mul3A_1084 : i32 to index
          %get3A_1806 = tpu.vector_load %get3A_1803[%get3A_1804, %get3A_1805] {strides = array<i32>} : memref<64x512xf32, #tpu.memory_space<vmem>>, vector<16xf32>,
          %gt3A_1807 = arith.cmpf ogt, %get3A_1806, %get3A_1796 : vector<16xf32>
          %select_n3A_1808 = arith.select %gt3A_1807, %get3A_1806, %get3A_1796 : vector<16xi1>, vector<16xf32>
          %jit3A_1809 = arith.constant 57 : i32
          %broadcast_in_dim3A_1810 = vector.broadcast %jit3A_1809 : i32 to vector<16xi32>
          %select_n3A_1811 = arith.select %gt3A_1807, %broadcast_in_dim3A_1810, %broadcast_in_dim3A_1798 : vector<16xi1>, vector<16xi32>
          %get3A_1812 = arith.constant 58 : i32
          %get3A_1813 = arith.constant 0 : i32
          %get3A_1814 = arith.constant 0 : i32
          %get3A_1815 = tpu.memref_slice %run_scoped3A[%rem3A_599, %get3A_1813, %get3A_1814] : memref<2x64x512xf32, #tpu.memory_space<vmem>> -> memref<1x64x512xf32, #tpu.memory_space<vmem>>
          %get3A_1816 = tpu.memref_squeeze %get3A_1815 : memref<1x64x512xf32, #tpu.memory_space<vmem>> -> memref<64x512xf32, #tpu.memory_space<vmem>>
          %get3A_1817 = arith.index_cast %get3A_1812 : i32 to index
          %get3A_1818 = arith.index_cast %mul3A_1084 : i32 to index
          %get3A_1819 = tpu.vector_load %get3A_1816[%get3A_1817, %get3A_1818] {strides = array<i32>} : memref<64x512xf32, #tpu.memory_space<vmem>>, vector<16xf32>,
          %gt3A_1820 = arith.cmpf ogt, %get3A_1819, %select_n3A_1808 : vector<16xf32>
          %select_n3A_1821 = arith.select %gt3A_1820, %get3A_1819, %select_n3A_1808 : vector<16xi1>, vector<16xf32>
          %jit3A_1822 = arith.constant 58 : i32
          %broadcast_in_dim3A_1823 = vector.broadcast %jit3A_1822 : i32 to vector<16xi32>
          %select_n3A_1824 = arith.select %gt3A_1820, %broadcast_in_dim3A_1823, %select_n3A_1811 : vector<16xi1>, vector<16xi32>
          %get3A_1825 = arith.constant 59 : i32
          %get3A_1826 = arith.constant 0 : i32
          %get3A_1827 = arith.constant 0 : i32
          %get3A_1828 = tpu.memref_slice %run_scoped3A[%rem3A_599, %get3A_1826, %get3A_1827] : memref<2x64x512xf32, #tpu.memory_space<vmem>> -> memref<1x64x512xf32, #tpu.memory_space<vmem>>
          %get3A_1829 = tpu.memref_squeeze %get3A_1828 : memref<1x64x512xf32, #tpu.memory_space<vmem>> -> memref<64x512xf32, #tpu.memory_space<vmem>>
          %get3A_1830 = arith.index_cast %get3A_1825 : i32 to index
          %get3A_1831 = arith.index_cast %mul3A_1084 : i32 to index
          %get3A_1832 = tpu.vector_load %get3A_1829[%get3A_1830, %get3A_1831] {strides = array<i32>} : memref<64x512xf32, #tpu.memory_space<vmem>>, vector<16xf32>,
          %gt3A_1833 = arith.cmpf ogt, %get3A_1832, %select_n3A_1821 : vector<16xf32>
          %select_n3A_1834 = arith.select %gt3A_1833, %get3A_1832, %select_n3A_1821 : vector<16xi1>, vector<16xf32>
          %jit3A_1835 = arith.constant 59 : i32
          %broadcast_in_dim3A_1836 = vector.broadcast %jit3A_1835 : i32 to vector<16xi32>
          %select_n3A_1837 = arith.select %gt3A_1833, %broadcast_in_dim3A_1836, %select_n3A_1824 : vector<16xi1>, vector<16xi32>
          %get3A_1838 = arith.constant 60 : i32
          %get3A_1839 = arith.constant 0 : i32
          %get3A_1840 = arith.constant 0 : i32
          %get3A_1841 = tpu.memref_slice %run_scoped3A[%rem3A_599, %get3A_1839, %get3A_1840] : memref<2x64x512xf32, #tpu.memory_space<vmem>> -> memref<1x64x512xf32, #tpu.memory_space<vmem>>
          %get3A_1842 = tpu.memref_squeeze %get3A_1841 : memref<1x64x512xf32, #tpu.memory_space<vmem>> -> memref<64x512xf32, #tpu.memory_space<vmem>>
          %get3A_1843 = arith.index_cast %get3A_1838 : i32 to index
          %get3A_1844 = arith.index_cast %mul3A_1084 : i32 to index
          %get3A_1845 = tpu.vector_load %get3A_1842[%get3A_1843, %get3A_1844] {strides = array<i32>} : memref<64x512xf32, #tpu.memory_space<vmem>>, vector<16xf32>,
          %gt3A_1846 = arith.cmpf ogt, %get3A_1845, %select_n3A_1834 : vector<16xf32>
          %select_n3A_1847 = arith.select %gt3A_1846, %get3A_1845, %select_n3A_1834 : vector<16xi1>, vector<16xf32>
          %jit3A_1848 = arith.constant 60 : i32
          %broadcast_in_dim3A_1849 = vector.broadcast %jit3A_1848 : i32 to vector<16xi32>
          %select_n3A_1850 = arith.select %gt3A_1846, %broadcast_in_dim3A_1849, %select_n3A_1837 : vector<16xi1>, vector<16xi32>
          %get3A_1851 = arith.constant 61 : i32
          %get3A_1852 = arith.constant 0 : i32
          %get3A_1853 = arith.constant 0 : i32
          %get3A_1854 = tpu.memref_slice %run_scoped3A[%rem3A_599, %get3A_1852, %get3A_1853] : memref<2x64x512xf32, #tpu.memory_space<vmem>> -> memref<1x64x512xf32, #tpu.memory_space<vmem>>
          %get3A_1855 = tpu.memref_squeeze %get3A_1854 : memref<1x64x512xf32, #tpu.memory_space<vmem>> -> memref<64x512xf32, #tpu.memory_space<vmem>>
          %get3A_1856 = arith.index_cast %get3A_1851 : i32 to index
          %get3A_1857 = arith.index_cast %mul3A_1084 : i32 to index
          %get3A_1858 = tpu.vector_load %get3A_1855[%get3A_1856, %get3A_1857] {strides = array<i32>} : memref<64x512xf32, #tpu.memory_space<vmem>>, vector<16xf32>,
          %gt3A_1859 = arith.cmpf ogt, %get3A_1858, %select_n3A_1847 : vector<16xf32>
          %select_n3A_1860 = arith.select %gt3A_1859, %get3A_1858, %select_n3A_1847 : vector<16xi1>, vector<16xf32>
          %jit3A_1861 = arith.constant 61 : i32
          %broadcast_in_dim3A_1862 = vector.broadcast %jit3A_1861 : i32 to vector<16xi32>
          %select_n3A_1863 = arith.select %gt3A_1859, %broadcast_in_dim3A_1862, %select_n3A_1850 : vector<16xi1>, vector<16xi32>
          %get3A_1864 = arith.constant 62 : i32
          %get3A_1865 = arith.constant 0 : i32
          %get3A_1866 = arith.constant 0 : i32
          %get3A_1867 = tpu.memref_slice %run_scoped3A[%rem3A_599, %get3A_1865, %get3A_1866] : memref<2x64x512xf32, #tpu.memory_space<vmem>> -> memref<1x64x512xf32, #tpu.memory_space<vmem>>
          %get3A_1868 = tpu.memref_squeeze %get3A_1867 : memref<1x64x512xf32, #tpu.memory_space<vmem>> -> memref<64x512xf32, #tpu.memory_space<vmem>>
          %get3A_1869 = arith.index_cast %get3A_1864 : i32 to index
          %get3A_1870 = arith.index_cast %mul3A_1084 : i32 to index
          %get3A_1871 = tpu.vector_load %get3A_1868[%get3A_1869, %get3A_1870] {strides = array<i32>} : memref<64x512xf32, #tpu.memory_space<vmem>>, vector<16xf32>,
          %gt3A_1872 = arith.cmpf ogt, %get3A_1871, %select_n3A_1860 : vector<16xf32>
          %select_n3A_1873 = arith.select %gt3A_1872, %get3A_1871, %select_n3A_1860 : vector<16xi1>, vector<16xf32>
          %jit3A_1874 = arith.constant 62 : i32
          %broadcast_in_dim3A_1875 = vector.broadcast %jit3A_1874 : i32 to vector<16xi32>
          %select_n3A_1876 = arith.select %gt3A_1872, %broadcast_in_dim3A_1875, %select_n3A_1863 : vector<16xi1>, vector<16xi32>
          %get3A_1877 = arith.constant 63 : i32
          %get3A_1878 = arith.constant 0 : i32
          %get3A_1879 = arith.constant 0 : i32
          %get3A_1880 = tpu.memref_slice %run_scoped3A[%rem3A_599, %get3A_1878, %get3A_1879] : memref<2x64x512xf32, #tpu.memory_space<vmem>> -> memref<1x64x512xf32, #tpu.memory_space<vmem>>
          %get3A_1881 = tpu.memref_squeeze %get3A_1880 : memref<1x64x512xf32, #tpu.memory_space<vmem>> -> memref<64x512xf32, #tpu.memory_space<vmem>>
          %get3A_1882 = arith.index_cast %get3A_1877 : i32 to index
          %get3A_1883 = arith.index_cast %mul3A_1084 : i32 to index
          %get3A_1884 = tpu.vector_load %get3A_1881[%get3A_1882, %get3A_1883] {strides = array<i32>} : memref<64x512xf32, #tpu.memory_space<vmem>>, vector<16xf32>,
          %gt3A_1885 = arith.cmpf ogt, %get3A_1884, %select_n3A_1873 : vector<16xf32>
          %select_n3A_1886 = arith.select %gt3A_1885, %get3A_1884, %select_n3A_1873 : vector<16xi1>, vector<16xf32>
          %jit3A_1887 = arith.constant 63 : i32
          %broadcast_in_dim3A_1888 = vector.broadcast %jit3A_1887 : i32 to vector<16xi32>
          %select_n3A_1889 = arith.select %gt3A_1885, %broadcast_in_dim3A_1888, %select_n3A_1876 : vector<16xi1>, vector<16xi32>
          %gt3A_1890 = arith.cmpf ogt, %select_n3A_1280, %select_n3A_1179 : vector<16xf32>
          %select_n3A_1891 = arith.select %gt3A_1890, %select_n3A_1280, %select_n3A_1179 : vector<16xi1>, vector<16xf32>
          %select_n3A_1892 = arith.select %gt3A_1890, %select_n3A_1283, %select_n3A_1182 : vector<16xi1>, vector<16xi32>
          %gt3A_1893 = arith.cmpf ogt, %select_n3A_1381, %select_n3A_1891 : vector<16xf32>
          %select_n3A_1894 = arith.select %gt3A_1893, %select_n3A_1381, %select_n3A_1891 : vector<16xi1>, vector<16xf32>
          %select_n3A_1895 = arith.select %gt3A_1893, %select_n3A_1384, %select_n3A_1892 : vector<16xi1>, vector<16xi32>
          %gt3A_1896 = arith.cmpf ogt, %select_n3A_1482, %select_n3A_1894 : vector<16xf32>
          %select_n3A_1897 = arith.select %gt3A_1896, %select_n3A_1482, %select_n3A_1894 : vector<16xi1>, vector<16xf32>
          %select_n3A_1898 = arith.select %gt3A_1896, %select_n3A_1485, %select_n3A_1895 : vector<16xi1>, vector<16xi32>
          %gt3A_1899 = arith.cmpf ogt, %select_n3A_1583, %select_n3A_1897 : vector<16xf32>
          %select_n3A_1900 = arith.select %gt3A_1899, %select_n3A_1583, %select_n3A_1897 : vector<16xi1>, vector<16xf32>
          %select_n3A_1901 = arith.select %gt3A_1899, %select_n3A_1586, %select_n3A_1898 : vector<16xi1>, vector<16xi32>
          %gt3A_1902 = arith.cmpf ogt, %select_n3A_1684, %select_n3A_1900 : vector<16xf32>
          %select_n3A_1903 = arith.select %gt3A_1902, %select_n3A_1684, %select_n3A_1900 : vector<16xi1>, vector<16xf32>
          %select_n3A_1904 = arith.select %gt3A_1902, %select_n3A_1687, %select_n3A_1901 : vector<16xi1>, vector<16xi32>
          %gt3A_1905 = arith.cmpf ogt, %select_n3A_1785, %select_n3A_1903 : vector<16xf32>
          %select_n3A_1906 = arith.select %gt3A_1905, %select_n3A_1785, %select_n3A_1903 : vector<16xi1>, vector<16xf32>
          %select_n3A_1907 = arith.select %gt3A_1905, %select_n3A_1788, %select_n3A_1904 : vector<16xi1>, vector<16xi32>
          %gt3A_1908 = arith.cmpf ogt, %select_n3A_1886, %select_n3A_1906 : vector<16xf32>
          %select_n3A_1909 = arith.select %gt3A_1908, %select_n3A_1886, %select_n3A_1906 : vector<16xi1>, vector<16xf32>
          %select_n3A_1910 = arith.select %gt3A_1908, %select_n3A_1889, %select_n3A_1907 : vector<16xi1>, vector<16xi32>
          %add3A_1911 = arith.constant 0 : i32
          %add3A_1912 = vector.broadcast %add3A_1911 : i32 to vector<16xi32>
          %add3A_1913 = arith.addi %select_n3A_1910, %add3A_1912 : vector<16xi32>
          %gather3A = tpu.vector_load_idx %arg5[%add3A_1913] : memref<448xf32, #tpu.memory_space<vmem>>[vector<16xi32>], vector<16xf32>,
          %swap3A = arith.constant 0 : i32
          %swap3A_1914 = arith.constant 0 : i32
          %swap3A_1915 = arith.constant 0 : i32
          %swap3A_1916 = arith.constant 0 : i32
          %swap3A_1917 = arith.constant 0 : i32
          %swap3A_1918 = tpu.memref_slice %run_scoped3A_8[%rem3A_601, %swap3A_1915, %swap3A_1916, %swap3A_1917] : memref<2x7x1x512xf32, #tpu.memory_space<vmem>> -> memref<1x7x1x512xf32, #tpu.memory_space<vmem>>
          %swap3A_1919 = tpu.memref_squeeze %swap3A_1918 : memref<1x7x1x512xf32, #tpu.memory_space<vmem>> -> memref<7x1x512xf32, #tpu.memory_space<vmem>>
          %swap3A_1920 = arith.index_cast %swap3A : i32 to index
          %swap3A_1921 = arith.index_cast %swap3A_1914 : i32 to index
          %swap3A_1922 = arith.index_cast %mul3A_1084 : i32 to index
          %swap3A_1923 = tpu.vector_load %swap3A_1919[%swap3A_1920, %swap3A_1921, %swap3A_1922] {strides = array<i32>} : memref<7x1x512xf32, #tpu.memory_space<vmem>>, vector<16xf32>,
          tpu.vector_store %swap3A_1919[%swap3A_1920, %swap3A_1921, %swap3A_1922], %gather3A {strides = array<i32>} : memref<7x1x512xf32, #tpu.memory_space<vmem>>, vector<16xf32>,
          %add3A_1924 = arith.constant 64 : i32
          %add3A_1925 = vector.broadcast %add3A_1924 : i32 to vector<16xi32>
          %add3A_1926 = arith.addi %select_n3A_1910, %add3A_1925 : vector<16xi32>
          %gather3A_1927 = tpu.vector_load_idx %arg5[%add3A_1926] : memref<448xf32, #tpu.memory_space<vmem>>[vector<16xi32>], vector<16xf32>,
          %swap3A_1928 = arith.constant 1 : i32
          %swap3A_1929 = arith.constant 0 : i32
          %swap3A_1930 = arith.constant 0 : i32
          %swap3A_1931 = arith.constant 0 : i32
          %swap3A_1932 = arith.constant 0 : i32
          %swap3A_1933 = tpu.memref_slice %run_scoped3A_8[%rem3A_601, %swap3A_1930, %swap3A_1931, %swap3A_1932] : memref<2x7x1x512xf32, #tpu.memory_space<vmem>> -> memref<1x7x1x512xf32, #tpu.memory_space<vmem>>
          %swap3A_1934 = tpu.memref_squeeze %swap3A_1933 : memref<1x7x1x512xf32, #tpu.memory_space<vmem>> -> memref<7x1x512xf32, #tpu.memory_space<vmem>>
          %swap3A_1935 = arith.index_cast %swap3A_1928 : i32 to index
          %swap3A_1936 = arith.index_cast %swap3A_1929 : i32 to index
          %swap3A_1937 = arith.index_cast %mul3A_1084 : i32 to index
          %swap3A_1938 = tpu.vector_load %swap3A_1934[%swap3A_1935, %swap3A_1936, %swap3A_1937] {strides = array<i32>} : memref<7x1x512xf32, #tpu.memory_space<vmem>>, vector<16xf32>,
          tpu.vector_store %swap3A_1934[%swap3A_1935, %swap3A_1936, %swap3A_1937], %gather3A_1927 {strides = array<i32>} : memref<7x1x512xf32, #tpu.memory_space<vmem>>, vector<16xf32>,
          %add3A_1939 = arith.constant 128 : i32
          %add3A_1940 = vector.broadcast %add3A_1939 : i32 to vector<16xi32>
          %add3A_1941 = arith.addi %select_n3A_1910, %add3A_1940 : vector<16xi32>
          %gather3A_1942 = tpu.vector_load_idx %arg5[%add3A_1941] : memref<448xf32, #tpu.memory_space<vmem>>[vector<16xi32>], vector<16xf32>,
          %swap3A_1943 = arith.constant 2 : i32
          %swap3A_1944 = arith.constant 0 : i32
          %swap3A_1945 = arith.constant 0 : i32
          %swap3A_1946 = arith.constant 0 : i32
          %swap3A_1947 = arith.constant 0 : i32
          %swap3A_1948 = tpu.memref_slice %run_scoped3A_8[%rem3A_601, %swap3A_1945, %swap3A_1946, %swap3A_1947] : memref<2x7x1x512xf32, #tpu.memory_space<vmem>> -> memref<1x7x1x512xf32, #tpu.memory_space<vmem>>
          %swap3A_1949 = tpu.memref_squeeze %swap3A_1948 : memref<1x7x1x512xf32, #tpu.memory_space<vmem>> -> memref<7x1x512xf32, #tpu.memory_space<vmem>>
          %swap3A_1950 = arith.index_cast %swap3A_1943 : i32 to index
          %swap3A_1951 = arith.index_cast %swap3A_1944 : i32 to index
          %swap3A_1952 = arith.index_cast %mul3A_1084 : i32 to index
          %swap3A_1953 = tpu.vector_load %swap3A_1949[%swap3A_1950, %swap3A_1951, %swap3A_1952] {strides = array<i32>} : memref<7x1x512xf32, #tpu.memory_space<vmem>>, vector<16xf32>,
          tpu.vector_store %swap3A_1949[%swap3A_1950, %swap3A_1951, %swap3A_1952], %gather3A_1942 {strides = array<i32>} : memref<7x1x512xf32, #tpu.memory_space<vmem>>, vector<16xf32>,
          %add3A_1954 = arith.constant 192 : i32
          %add3A_1955 = vector.broadcast %add3A_1954 : i32 to vector<16xi32>
          %add3A_1956 = arith.addi %select_n3A_1910, %add3A_1955 : vector<16xi32>
          %gather3A_1957 = tpu.vector_load_idx %arg5[%add3A_1956] : memref<448xf32, #tpu.memory_space<vmem>>[vector<16xi32>], vector<16xf32>,
          %swap3A_1958 = arith.constant 3 : i32
          %swap3A_1959 = arith.constant 0 : i32
          %swap3A_1960 = arith.constant 0 : i32
          %swap3A_1961 = arith.constant 0 : i32
          %swap3A_1962 = arith.constant 0 : i32
          %swap3A_1963 = tpu.memref_slice %run_scoped3A_8[%rem3A_601, %swap3A_1960, %swap3A_1961, %swap3A_1962] : memref<2x7x1x512xf32, #tpu.memory_space<vmem>> -> memref<1x7x1x512xf32, #tpu.memory_space<vmem>>
          %swap3A_1964 = tpu.memref_squeeze %swap3A_1963 : memref<1x7x1x512xf32, #tpu.memory_space<vmem>> -> memref<7x1x512xf32, #tpu.memory_space<vmem>>
          %swap3A_1965 = arith.index_cast %swap3A_1958 : i32 to index
          %swap3A_1966 = arith.index_cast %swap3A_1959 : i32 to index
          %swap3A_1967 = arith.index_cast %mul3A_1084 : i32 to index
          %swap3A_1968 = tpu.vector_load %swap3A_1964[%swap3A_1965, %swap3A_1966, %swap3A_1967] {strides = array<i32>} : memref<7x1x512xf32, #tpu.memory_space<vmem>>, vector<16xf32>,
          tpu.vector_store %swap3A_1964[%swap3A_1965, %swap3A_1966, %swap3A_1967], %gather3A_1957 {strides = array<i32>} : memref<7x1x512xf32, #tpu.memory_space<vmem>>, vector<16xf32>,
          %add3A_1969 = arith.constant 256 : i32
          %add3A_1970 = vector.broadcast %add3A_1969 : i32 to vector<16xi32>
          %add3A_1971 = arith.addi %select_n3A_1910, %add3A_1970 : vector<16xi32>
          %gather3A_1972 = tpu.vector_load_idx %arg5[%add3A_1971] : memref<448xf32, #tpu.memory_space<vmem>>[vector<16xi32>], vector<16xf32>,
          %swap3A_1973 = arith.constant 4 : i32
          %swap3A_1974 = arith.constant 0 : i32
          %swap3A_1975 = arith.constant 0 : i32
          %swap3A_1976 = arith.constant 0 : i32
          %swap3A_1977 = arith.constant 0 : i32
          %swap3A_1978 = tpu.memref_slice %run_scoped3A_8[%rem3A_601, %swap3A_1975, %swap3A_1976, %swap3A_1977] : memref<2x7x1x512xf32, #tpu.memory_space<vmem>> -> memref<1x7x1x512xf32, #tpu.memory_space<vmem>>
          %swap3A_1979 = tpu.memref_squeeze %swap3A_1978 : memref<1x7x1x512xf32, #tpu.memory_space<vmem>> -> memref<7x1x512xf32, #tpu.memory_space<vmem>>
          %swap3A_1980 = arith.index_cast %swap3A_1973 : i32 to index
          %swap3A_1981 = arith.index_cast %swap3A_1974 : i32 to index
          %swap3A_1982 = arith.index_cast %mul3A_1084 : i32 to index
          %swap3A_1983 = tpu.vector_load %swap3A_1979[%swap3A_1980, %swap3A_1981, %swap3A_1982] {strides = array<i32>} : memref<7x1x512xf32, #tpu.memory_space<vmem>>, vector<16xf32>,
          tpu.vector_store %swap3A_1979[%swap3A_1980, %swap3A_1981, %swap3A_1982], %gather3A_1972 {strides = array<i32>} : memref<7x1x512xf32, #tpu.memory_space<vmem>>, vector<16xf32>,
          %add3A_1984 = arith.constant 320 : i32
          %add3A_1985 = vector.broadcast %add3A_1984 : i32 to vector<16xi32>
          %add3A_1986 = arith.addi %select_n3A_1910, %add3A_1985 : vector<16xi32>
          %gather3A_1987 = tpu.vector_load_idx %arg5[%add3A_1986] : memref<448xf32, #tpu.memory_space<vmem>>[vector<16xi32>], vector<16xf32>,
          %swap3A_1988 = arith.constant 5 : i32
          %swap3A_1989 = arith.constant 0 : i32
          %swap3A_1990 = arith.constant 0 : i32
          %swap3A_1991 = arith.constant 0 : i32
          %swap3A_1992 = arith.constant 0 : i32
          %swap3A_1993 = tpu.memref_slice %run_scoped3A_8[%rem3A_601, %swap3A_1990, %swap3A_1991, %swap3A_1992] : memref<2x7x1x512xf32, #tpu.memory_space<vmem>> -> memref<1x7x1x512xf32, #tpu.memory_space<vmem>>
          %swap3A_1994 = tpu.memref_squeeze %swap3A_1993 : memref<1x7x1x512xf32, #tpu.memory_space<vmem>> -> memref<7x1x512xf32, #tpu.memory_space<vmem>>
          %swap3A_1995 = arith.index_cast %swap3A_1988 : i32 to index
          %swap3A_1996 = arith.index_cast %swap3A_1989 : i32 to index
          %swap3A_1997 = arith.index_cast %mul3A_1084 : i32 to index
          %swap3A_1998 = tpu.vector_load %swap3A_1994[%swap3A_1995, %swap3A_1996, %swap3A_1997] {strides = array<i32>} : memref<7x1x512xf32, #tpu.memory_space<vmem>>, vector<16xf32>,
          tpu.vector_store %swap3A_1994[%swap3A_1995, %swap3A_1996, %swap3A_1997], %gather3A_1987 {strides = array<i32>} : memref<7x1x512xf32, #tpu.memory_space<vmem>>, vector<16xf32>,
          %add3A_1999 = arith.constant 384 : i32
          %add3A_2000 = vector.broadcast %add3A_1999 : i32 to vector<16xi32>
          %add3A_2001 = arith.addi %select_n3A_1910, %add3A_2000 : vector<16xi32>
          %gather3A_2002 = tpu.vector_load_idx %arg5[%add3A_2001] : memref<448xf32, #tpu.memory_space<vmem>>[vector<16xi32>], vector<16xf32>,
          %swap3A_2003 = arith.constant 6 : i32
          %swap3A_2004 = arith.constant 0 : i32
          %swap3A_2005 = arith.constant 0 : i32
          %swap3A_2006 = arith.constant 0 : i32
          %swap3A_2007 = arith.constant 0 : i32
          %swap3A_2008 = tpu.memref_slice %run_scoped3A_8[%rem3A_601, %swap3A_2005, %swap3A_2006, %swap3A_2007] : memref<2x7x1x512xf32, #tpu.memory_space<vmem>> -> memref<1x7x1x512xf32, #tpu.memory_space<vmem>>
          %swap3A_2009 = tpu.memref_squeeze %swap3A_2008 : memref<1x7x1x512xf32, #tpu.memory_space<vmem>> -> memref<7x1x512xf32, #tpu.memory_space<vmem>>
          %swap3A_2010 = arith.index_cast %swap3A_2003 : i32 to index
          %swap3A_2011 = arith.index_cast %swap3A_2004 : i32 to index
          %swap3A_2012 = arith.index_cast %mul3A_1084 : i32 to index
          %swap3A_2013 = tpu.vector_load %swap3A_2009[%swap3A_2010, %swap3A_2011, %swap3A_2012] {strides = array<i32>} : memref<7x1x512xf32, #tpu.memory_space<vmem>>, vector<16xf32>,
          tpu.vector_store %swap3A_2009[%swap3A_2010, %swap3A_2011, %swap3A_2012], %gather3A_2002 {strides = array<i32>} : memref<7x1x512xf32, #tpu.memory_space<vmem>>, vector<16xf32>,
        }
        %scan3A_606 = arith.constant 32 : i32
        %jit3A_607 = arith.constant 8 : i32
        "tpu.trace_stop"() : () -> ()
        %div3A_608 = arith.divsi %add3A_209, %jit3A_607 : i32
        %sign3A_609 = arith.constant 0 : i32
        %sign3A_610 = arith.cmpi sgt, %add3A_209, %sign3A_609 : i32
        %sign3A_611 = arith.extui %sign3A_610 : i1 to i32
        %sign3A_612 = arith.constant 0 : i32
        %sign3A_613 = arith.cmpi slt, %add3A_209, %sign3A_612 : i32
        %sign3A_614 = arith.extui %sign3A_613 : i1 to i32
        %sign3A_615 = arith.subi %sign3A_611, %sign3A_614 : i32
        %sign3A_616 = arith.constant 0 : i32
        %sign3A_617 = arith.cmpi sgt, %jit3A_607, %sign3A_616 : i32
        %sign3A_618 = arith.extui %sign3A_617 : i1 to i32
        %sign3A_619 = arith.constant 0 : i32
        %sign3A_620 = arith.cmpi slt, %jit3A_607, %sign3A_619 : i32
        %sign3A_621 = arith.extui %sign3A_620 : i1 to i32
        %sign3A_622 = arith.subi %sign3A_618, %sign3A_621 : i32
        %ne3A_623 = arith.cmpi ne, %sign3A_615, %sign3A_622 : i32
        %rem3A_624 = arith.remsi %add3A_209, %jit3A_607 : i32
        %ne3A_625 = arith.constant 0 : i32
        %ne3A_626 = arith.cmpi ne, %rem3A_624, %ne3A_625 : i32
        %and3A_627 = arith.andi %ne3A_623, %ne3A_626 : i1
        %sub3A_628 = arith.constant 1 : i32
        %sub3A_629 = arith.subi %div3A_608, %sub3A_628 : i32
        %select_n3A_630 = arith.select %and3A_627, %sub3A_629, %div3A_608 : i32
        %jit3A_631 = arith.constant 8 : i32
        %eq3A_632 = arith.constant 0 : i32
        %eq3A_633 = arith.cmpi eq, %jit3A_631, %eq3A_632 : i32
        %jit3A_634 = arith.constant 1 : i32
        %select_n3A_635 = arith.select %eq3A_633, %jit3A_634, %jit3A_631 : i32
        %rem3A_636 = arith.remsi %add3A_209, %select_n3A_635 : i32
        %ne3A_637 = arith.constant 0 : i32
        %ne3A_638 = arith.cmpi ne, %rem3A_636, %ne3A_637 : i32
        %lt3A_639 = arith.constant 0 : i32
        %lt3A_640 = arith.cmpi slt, %rem3A_636, %lt3A_639 : i32
        %lt3A_641 = arith.constant 0 : i32
        %lt3A_642 = arith.cmpi slt, %select_n3A_635, %lt3A_641 : i32
        %ne3A_643 = arith.xori %lt3A_640, %lt3A_642 : i1
        %and3A_644 = arith.andi %ne3A_643, %ne3A_638 : i1
        %add3A_645 = arith.addi %rem3A_636, %select_n3A_635 : i32
        %select_n3A_646 = arith.select %and3A_644, %add3A_645, %rem3A_636 : i32
        %jit3A_647 = arith.constant 8 : i32
        %div3A_648 = arith.divsi %add3A_227, %jit3A_647 : i32
        %sign3A_649 = arith.constant 0 : i32
        %sign3A_650 = arith.cmpi sgt, %add3A_227, %sign3A_649 : i32
        %sign3A_651 = arith.extui %sign3A_650 : i1 to i32
        %sign3A_652 = arith.constant 0 : i32
        %sign3A_653 = arith.cmpi slt, %add3A_227, %sign3A_652 : i32
        %sign3A_654 = arith.extui %sign3A_653 : i1 to i32
        %sign3A_655 = arith.subi %sign3A_651, %sign3A_654 : i32
        %sign3A_656 = arith.constant 0 : i32
        %sign3A_657 = arith.cmpi sgt, %jit3A_647, %sign3A_656 : i32
        %sign3A_658 = arith.extui %sign3A_657 : i1 to i32
        %sign3A_659 = arith.constant 0 : i32
        %sign3A_660 = arith.cmpi slt, %jit3A_647, %sign3A_659 : i32
        %sign3A_661 = arith.extui %sign3A_660 : i1 to i32
        %sign3A_662 = arith.subi %sign3A_658, %sign3A_661 : i32
        %ne3A_663 = arith.cmpi ne, %sign3A_655, %sign3A_662 : i32
        %rem3A_664 = arith.remsi %add3A_227, %jit3A_647 : i32
        %ne3A_665 = arith.constant 0 : i32
        %ne3A_666 = arith.cmpi ne, %rem3A_664, %ne3A_665 : i32
        %and3A_667 = arith.andi %ne3A_663, %ne3A_666 : i1
        %sub3A_668 = arith.constant 1 : i32
        %sub3A_669 = arith.subi %div3A_648, %sub3A_668 : i32
        %select_n3A_670 = arith.select %and3A_667, %sub3A_669, %div3A_648 : i32
        %jit3A_671 = arith.constant 8 : i32
        %eq3A_672 = arith.constant 0 : i32
        %eq3A_673 = arith.cmpi eq, %jit3A_671, %eq3A_672 : i32
        %jit3A_674 = arith.constant 1 : i32
        %select_n3A_675 = arith.select %eq3A_673, %jit3A_674, %jit3A_671 : i32
        %rem3A_676 = arith.remsi %add3A_227, %select_n3A_675 : i32
        %ne3A_677 = arith.constant 0 : i32
        %ne3A_678 = arith.cmpi ne, %rem3A_676, %ne3A_677 : i32
        %lt3A_679 = arith.constant 0 : i32
        %lt3A_680 = arith.cmpi slt, %rem3A_676, %lt3A_679 : i32
        %lt3A_681 = arith.constant 0 : i32
        %lt3A_682 = arith.cmpi slt, %select_n3A_675, %lt3A_681 : i32
        %ne3A_683 = arith.xori %lt3A_680, %lt3A_682 : i1
        %and3A_684 = arith.andi %ne3A_683, %ne3A_678 : i1
        %add3A_685 = arith.addi %rem3A_676, %select_n3A_675 : i32
        %select_n3A_686 = arith.select %and3A_684, %add3A_685, %rem3A_676 : i32
        %ne3A_687 = arith.cmpi ne, %select_n3A_630, %select_n3A_670 : i32
        %ne3A_688 = arith.cmpi ne, %select_n3A_646, %select_n3A_686 : i32
        %or3A_689 = arith.constant false
        %or3A_690 = arith.ori %or3A_689, %ne3A_687 : i1
        %or3A_691 = arith.ori %or3A_690, %ne3A_688 : i1
        %or3A_692 = arith.ori %or3A_691, %eq3A_208 : i1
        %convert_element_type3A_693 = arith.extui %or3A_692 : i1 to i32
        %cond3A_694 = arith.constant 0 : i32
        %cond3A_695 = arith.cmpi ne, %convert_element_type3A_693, %cond3A_694 : i32
        scf.if %cond3A_695 {
        } else {
        }
        %and3A_696 = arith.constant false
        %and3A_697 = arith.andi %or3A_692, %and3A_696 : i1
        %jit3A_698 = arith.constant 8 : i32
        %div3A_699 = arith.divsi %add3A_209, %jit3A_698 : i32
        %sign3A_700 = arith.constant 0 : i32
        %sign3A_701 = arith.cmpi sgt, %add3A_209, %sign3A_700 : i32
        %sign3A_702 = arith.extui %sign3A_701 : i1 to i32
        %sign3A_703 = arith.constant 0 : i32
        %sign3A_704 = arith.cmpi slt, %add3A_209, %sign3A_703 : i32
        %sign3A_705 = arith.extui %sign3A_704 : i1 to i32
        %sign3A_706 = arith.subi %sign3A_702, %sign3A_705 : i32
        %sign3A_707 = arith.constant 0 : i32
        %sign3A_708 = arith.cmpi sgt, %jit3A_698, %sign3A_707 : i32
        %sign3A_709 = arith.extui %sign3A_708 : i1 to i32
        %sign3A_710 = arith.constant 0 : i32
        %sign3A_711 = arith.cmpi slt, %jit3A_698, %sign3A_710 : i32
        %sign3A_712 = arith.extui %sign3A_711 : i1 to i32
        %sign3A_713 = arith.subi %sign3A_709, %sign3A_712 : i32
        %ne3A_714 = arith.cmpi ne, %sign3A_706, %sign3A_713 : i32
        %rem3A_715 = arith.remsi %add3A_209, %jit3A_698 : i32
        %ne3A_716 = arith.constant 0 : i32
        %ne3A_717 = arith.cmpi ne, %rem3A_715, %ne3A_716 : i32
        %and3A_718 = arith.andi %ne3A_714, %ne3A_717 : i1
        %sub3A_719 = arith.constant 1 : i32
        %sub3A_720 = arith.subi %div3A_699, %sub3A_719 : i32
        %select_n3A_721 = arith.select %and3A_718, %sub3A_720, %div3A_699 : i32
        %jit3A_722 = arith.constant 8 : i32
        %eq3A_723 = arith.constant 0 : i32
        %eq3A_724 = arith.cmpi eq, %jit3A_722, %eq3A_723 : i32
        %jit3A_725 = arith.constant 1 : i32
        %select_n3A_726 = arith.select %eq3A_724, %jit3A_725, %jit3A_722 : i32
        %rem3A_727 = arith.remsi %add3A_209, %select_n3A_726 : i32
        %ne3A_728 = arith.constant 0 : i32
        %ne3A_729 = arith.cmpi ne, %rem3A_727, %ne3A_728 : i32
        %lt3A_730 = arith.constant 0 : i32
        %lt3A_731 = arith.cmpi slt, %rem3A_727, %lt3A_730 : i32
        %lt3A_732 = arith.constant 0 : i32
        %lt3A_733 = arith.cmpi slt, %select_n3A_726, %lt3A_732 : i32
        %ne3A_734 = arith.xori %lt3A_731, %lt3A_733 : i1
        %and3A_735 = arith.andi %ne3A_734, %ne3A_729 : i1
        %add3A_736 = arith.addi %rem3A_727, %select_n3A_726 : i32
        %select_n3A_737 = arith.select %and3A_735, %add3A_736, %rem3A_727 : i32
        %jit3A_738 = arith.constant 8 : i32
        %div3A_739 = arith.divsi %add3A_227, %jit3A_738 : i32
        %sign3A_740 = arith.constant 0 : i32
        %sign3A_741 = arith.cmpi sgt, %add3A_227, %sign3A_740 : i32
        %sign3A_742 = arith.extui %sign3A_741 : i1 to i32
        %sign3A_743 = arith.constant 0 : i32
        %sign3A_744 = arith.cmpi slt, %add3A_227, %sign3A_743 : i32
        %sign3A_745 = arith.extui %sign3A_744 : i1 to i32
        %sign3A_746 = arith.subi %sign3A_742, %sign3A_745 : i32
        %sign3A_747 = arith.constant 0 : i32
        %sign3A_748 = arith.cmpi sgt, %jit3A_738, %sign3A_747 : i32
        %sign3A_749 = arith.extui %sign3A_748 : i1 to i32
        %sign3A_750 = arith.constant 0 : i32
        %sign3A_751 = arith.cmpi slt, %jit3A_738, %sign3A_750 : i32
        %sign3A_752 = arith.extui %sign3A_751 : i1 to i32
        %sign3A_753 = arith.subi %sign3A_749, %sign3A_752 : i32
        %ne3A_754 = arith.cmpi ne, %sign3A_746, %sign3A_753 : i32
        %rem3A_755 = arith.remsi %add3A_227, %jit3A_738 : i32
        %ne3A_756 = arith.constant 0 : i32
        %ne3A_757 = arith.cmpi ne, %rem3A_755, %ne3A_756 : i32
        %and3A_758 = arith.andi %ne3A_754, %ne3A_757 : i1
        %sub3A_759 = arith.constant 1 : i32
        %sub3A_760 = arith.subi %div3A_739, %sub3A_759 : i32
        %select_n3A_761 = arith.select %and3A_758, %sub3A_760, %div3A_739 : i32
        %jit3A_762 = arith.constant 8 : i32
        %eq3A_763 = arith.constant 0 : i32
        %eq3A_764 = arith.cmpi eq, %jit3A_762, %eq3A_763 : i32
        %jit3A_765 = arith.constant 1 : i32
        %select_n3A_766 = arith.select %eq3A_764, %jit3A_765, %jit3A_762 : i32
        %rem3A_767 = arith.remsi %add3A_227, %select_n3A_766 : i32
        %ne3A_768 = arith.constant 0 : i32
        %ne3A_769 = arith.cmpi ne, %rem3A_767, %ne3A_768 : i32
        %lt3A_770 = arith.constant 0 : i32
        %lt3A_771 = arith.cmpi slt, %rem3A_767, %lt3A_770 : i32
        %lt3A_772 = arith.constant 0 : i32
        %lt3A_773 = arith.cmpi slt, %select_n3A_766, %lt3A_772 : i32
        %ne3A_774 = arith.xori %lt3A_771, %lt3A_773 : i1
        %and3A_775 = arith.andi %ne3A_774, %ne3A_769 : i1
        %add3A_776 = arith.addi %rem3A_767, %select_n3A_766 : i32
        %select_n3A_777 = arith.select %and3A_775, %add3A_776, %rem3A_767 : i32
        %ne3A_778 = arith.cmpi ne, %select_n3A_721, %select_n3A_761 : i32
        %ne3A_779 = arith.cmpi ne, %select_n3A_737, %select_n3A_777 : i32
        %or3A_780 = arith.constant false
        %or3A_781 = arith.ori %or3A_780, %ne3A_778 : i1
        %or3A_782 = arith.ori %or3A_781, %ne3A_779 : i1
        %or3A_783 = arith.ori %or3A_782, %eq3A_208 : i1
        %convert_element_type3A_784 = arith.extui %or3A_783 : i1 to i32
        %cond3A_785 = arith.constant 0 : i32
        %cond3A_786 = arith.cmpi ne, %convert_element_type3A_784, %cond3A_785 : i32
        scf.if %cond3A_786 {
          "tpu.trace_start"() <{level = 10 : i32, message = "ep_copy_out"}> : () -> ()
          %rem3A_1078 = arith.constant 2 : i32
          %rem3A_1079 = arith.remui %scan3A_202, %rem3A_1078 : i32
          %jit3A_1080 = arith.constant 8 : i32
          %div3A_1081 = arith.divsi %add3A_209, %jit3A_1080 : i32
          %sign3A_1082 = arith.constant 0 : i32
          %sign3A_1083 = arith.cmpi sgt, %add3A_209, %sign3A_1082 : i32
          %sign3A_1084 = arith.extui %sign3A_1083 : i1 to i32
          %sign3A_1085 = arith.constant 0 : i32
          %sign3A_1086 = arith.cmpi slt, %add3A_209, %sign3A_1085 : i32
          %sign3A_1087 = arith.extui %sign3A_1086 : i1 to i32
          %sign3A_1088 = arith.subi %sign3A_1084, %sign3A_1087 : i32
          %sign3A_1089 = arith.constant 0 : i32
          %sign3A_1090 = arith.cmpi sgt, %jit3A_1080, %sign3A_1089 : i32
          %sign3A_1091 = arith.extui %sign3A_1090 : i1 to i32
          %sign3A_1092 = arith.constant 0 : i32
          %sign3A_1093 = arith.cmpi slt, %jit3A_1080, %sign3A_1092 : i32
          %sign3A_1094 = arith.extui %sign3A_1093 : i1 to i32
          %sign3A_1095 = arith.subi %sign3A_1091, %sign3A_1094 : i32
          %ne3A_1096 = arith.cmpi ne, %sign3A_1088, %sign3A_1095 : i32
          %rem3A_1097 = arith.remsi %add3A_209, %jit3A_1080 : i32
          %ne3A_1098 = arith.constant 0 : i32
          %ne3A_1099 = arith.cmpi ne, %rem3A_1097, %ne3A_1098 : i32
          %and3A_1100 = arith.andi %ne3A_1096, %ne3A_1099 : i1
          %sub3A_1101 = arith.constant 1 : i32
          %sub3A_1102 = arith.subi %div3A_1081, %sub3A_1101 : i32
          %select_n3A_1103 = arith.select %and3A_1100, %sub3A_1102, %div3A_1081 : i32
          %jit3A_1104 = arith.constant 8 : i32
          %eq3A_1105 = arith.constant 0 : i32
          %eq3A_1106 = arith.cmpi eq, %jit3A_1104, %eq3A_1105 : i32
          %jit3A_1107 = arith.constant 1 : i32
          %select_n3A_1108 = arith.select %eq3A_1106, %jit3A_1107, %jit3A_1104 : i32
          %rem3A_1109 = arith.remsi %add3A_209, %select_n3A_1108 : i32
          %ne3A_1110 = arith.constant 0 : i32
          %ne3A_1111 = arith.cmpi ne, %rem3A_1109, %ne3A_1110 : i32
          %lt3A_1112 = arith.constant 0 : i32
          %lt3A_1113 = arith.cmpi slt, %rem3A_1109, %lt3A_1112 : i32
          %lt3A_1114 = arith.constant 0 : i32
          %lt3A_1115 = arith.cmpi slt, %select_n3A_1108, %lt3A_1114 : i32
          %ne3A_1116 = arith.xori %lt3A_1113, %lt3A_1115 : i1
          %and3A_1117 = arith.andi %ne3A_1116, %ne3A_1111 : i1
          %add3A_1118 = arith.addi %rem3A_1109, %select_n3A_1108 : i32
          %select_n3A_1119 = arith.select %and3A_1117, %add3A_1118, %rem3A_1109 : i32
          %mul3A_1120 = arith.constant 1 : i32
          %mul3A_1121 = arith.muli %mul3A_1120, %select_n3A_1103 : i32
          %mul3A_1122 = arith.constant 512 : i32
          %mul3A_1123 = arith.muli %mul3A_1122, %select_n3A_1119 : i32
          %dma_start3A_1124 = arith.constant 0 : i32
          %dma_start3A_1125 = arith.constant 0 : i32
          %dma_start3A_1126 = arith.constant 0 : i32
          %dma_start3A_1127 = tpu.memref_slice %run_scoped3A_8[%rem3A_1079, %dma_start3A_1124, %dma_start3A_1125, %dma_start3A_1126] : memref<2x7x1x512xf32, #tpu.memory_space<vmem>> -> memref<1x7x1x512xf32, #tpu.memory_space<vmem>>
          %dma_start3A_1128 = tpu.memref_squeeze %dma_start3A_1127 : memref<1x7x1x512xf32, #tpu.memory_space<vmem>> -> memref<7x1x512xf32, #tpu.memory_space<vmem>>
          %dma_start3A_1129 = arith.constant 0 : i32
          %dma_start3A_1130 = tpu.memref_slice %arg4[%dma_start3A_1129, %mul3A_1121, %mul3A_1123] : memref<7x16x4096xf32, #tpu.memory_space<hbm>> -> memref<7x1x512xf32, #tpu.memory_space<hbm>>
          %dma_start3A_1131 = tpu.memref_slice %run_scoped3A_9[%rem3A_1079] : memref<2x!tpu.dma_semaphore, #tpu.memory_space<semaphore_mem>> -> memref<1x!tpu.dma_semaphore, #tpu.memory_space<semaphore_mem>>
          %dma_start3A_1132 = tpu.memref_squeeze %dma_start3A_1131 : memref<1x!tpu.dma_semaphore, #tpu.memory_space<semaphore_mem>> -> memref<!tpu.dma_semaphore, #tpu.memory_space<semaphore_mem>>
          %dma_start3A_1133 = arith.constant 0 : i32
          %dma_start3A_1134 = tpu.memref_slice %arg4[%dma_start3A_1133, %mul3A_1121, %mul3A_1123] : memref<7x16x4096xf32, #tpu.memory_space<hbm>> -> memref<7x1x512xf32, #tpu.memory_space<hbm>>
          %dma_start3A_1135 = arith.constant 0 : i32
          %dma_start3A_1136 = arith.constant 0 : i32
          %dma_start3A_1137 = arith.constant 0 : i32
          %dma_start3A_1138 = tpu.memref_slice %run_scoped3A_8[%rem3A_1079, %dma_start3A_1135, %dma_start3A_1136, %dma_start3A_1137] : memref<2x7x1x512xf32, #tpu.memory_space<vmem>> -> memref<1x7x1x512xf32, #tpu.memory_space<vmem>>
          %dma_start3A_1139 = tpu.memref_squeeze %dma_start3A_1138 : memref<1x7x1x512xf32, #tpu.memory_space<vmem>> -> memref<7x1x512xf32, #tpu.memory_space<vmem>>
          tpu.enqueue_dma source(%dma_start3A_1139 : memref<7x1x512xf32, #tpu.memory_space<vmem>>) target(%dma_start3A_1134 : memref<7x1x512xf32, #tpu.memory_space<hbm>>) target_semaphore(%dma_start3A_1132 : memref<!tpu.dma_semaphore, #tpu.memory_space<semaphore_mem>>)
          "tpu.trace_stop"() : () -> ()
        } else {
        }
        %and3A_787 = arith.constant true
        %and3A_788 = arith.andi %or3A_783, %and3A_787 : i1
        %add3A_789 = arith.constant 1 : i32
        %add3A_790 = arith.addi %scan3A_202, %add3A_789 : i32
        %select_n3A_791 = arith.select %and3A_788, %add3A_790, %scan3A_202 : i32
        %jit3A_792 = arith.constant 8 : i32
        %div3A_793 = arith.divsi %add3A_209, %jit3A_792 : i32
        %sign3A_794 = arith.constant 0 : i32
        %sign3A_795 = arith.cmpi sgt, %add3A_209, %sign3A_794 : i32
        %sign3A_796 = arith.extui %sign3A_795 : i1 to i32
        %sign3A_797 = arith.constant 0 : i32
        %sign3A_798 = arith.cmpi slt, %add3A_209, %sign3A_797 : i32
        %sign3A_799 = arith.extui %sign3A_798 : i1 to i32
        %sign3A_800 = arith.subi %sign3A_796, %sign3A_799 : i32
        %sign3A_801 = arith.constant 0 : i32
        %sign3A_802 = arith.cmpi sgt, %jit3A_792, %sign3A_801 : i32
        %sign3A_803 = arith.extui %sign3A_802 : i1 to i32
        %sign3A_804 = arith.constant 0 : i32
        %sign3A_805 = arith.cmpi slt, %jit3A_792, %sign3A_804 : i32
        %sign3A_806 = arith.extui %sign3A_805 : i1 to i32
        %sign3A_807 = arith.subi %sign3A_803, %sign3A_806 : i32
        %ne3A_808 = arith.cmpi ne, %sign3A_800, %sign3A_807 : i32
        %rem3A_809 = arith.remsi %add3A_209, %jit3A_792 : i32
        %ne3A_810 = arith.constant 0 : i32
        %ne3A_811 = arith.cmpi ne, %rem3A_809, %ne3A_810 : i32
        %and3A_812 = arith.andi %ne3A_808, %ne3A_811 : i1
        %sub3A_813 = arith.constant 1 : i32
        %sub3A_814 = arith.subi %div3A_793, %sub3A_813 : i32
        %select_n3A_815 = arith.select %and3A_812, %sub3A_814, %div3A_793 : i32
        %jit3A_816 = arith.constant 8 : i32
        %eq3A_817 = arith.constant 0 : i32
        %eq3A_818 = arith.cmpi eq, %jit3A_816, %eq3A_817 : i32
        %jit3A_819 = arith.constant 1 : i32
        %select_n3A_820 = arith.select %eq3A_818, %jit3A_819, %jit3A_816 : i32
        %rem3A_821 = arith.remsi %add3A_209, %select_n3A_820 : i32
        %ne3A_822 = arith.constant 0 : i32
        %ne3A_823 = arith.cmpi ne, %rem3A_821, %ne3A_822 : i32
        %lt3A_824 = arith.constant 0 : i32
        %lt3A_825 = arith.cmpi slt, %rem3A_821, %lt3A_824 : i32
        %lt3A_826 = arith.constant 0 : i32
        %lt3A_827 = arith.cmpi slt, %select_n3A_820, %lt3A_826 : i32
        %ne3A_828 = arith.xori %lt3A_825, %lt3A_827 : i1
        %and3A_829 = arith.andi %ne3A_828, %ne3A_823 : i1
        %add3A_830 = arith.addi %rem3A_821, %select_n3A_820 : i32
        %select_n3A_831 = arith.select %and3A_829, %add3A_830, %rem3A_821 : i32
        %jit3A_832 = arith.constant 8 : i32
        %div3A_833 = arith.divsi %add3A_218, %jit3A_832 : i32
        %sign3A_834 = arith.constant 0 : i32
        %sign3A_835 = arith.cmpi sgt, %add3A_218, %sign3A_834 : i32
        %sign3A_836 = arith.extui %sign3A_835 : i1 to i32
        %sign3A_837 = arith.constant 0 : i32
        %sign3A_838 = arith.cmpi slt, %add3A_218, %sign3A_837 : i32
        %sign3A_839 = arith.extui %sign3A_838 : i1 to i32
        %sign3A_840 = arith.subi %sign3A_836, %sign3A_839 : i32
        %sign3A_841 = arith.constant 0 : i32
        %sign3A_842 = arith.cmpi sgt, %jit3A_832, %sign3A_841 : i32
        %sign3A_843 = arith.extui %sign3A_842 : i1 to i32
        %sign3A_844 = arith.constant 0 : i32
        %sign3A_845 = arith.cmpi slt, %jit3A_832, %sign3A_844 : i32
        %sign3A_846 = arith.extui %sign3A_845 : i1 to i32
        %sign3A_847 = arith.subi %sign3A_843, %sign3A_846 : i32
        %ne3A_848 = arith.cmpi ne, %sign3A_840, %sign3A_847 : i32
        %rem3A_849 = arith.remsi %add3A_218, %jit3A_832 : i32
        %ne3A_850 = arith.constant 0 : i32
        %ne3A_851 = arith.cmpi ne, %rem3A_849, %ne3A_850 : i32
        %and3A_852 = arith.andi %ne3A_848, %ne3A_851 : i1
        %sub3A_853 = arith.constant 1 : i32
        %sub3A_854 = arith.subi %div3A_833, %sub3A_853 : i32
        %select_n3A_855 = arith.select %and3A_852, %sub3A_854, %div3A_833 : i32
        %jit3A_856 = arith.constant 8 : i32
        %eq3A_857 = arith.constant 0 : i32
        %eq3A_858 = arith.cmpi eq, %jit3A_856, %eq3A_857 : i32
        %jit3A_859 = arith.constant 1 : i32
        %select_n3A_860 = arith.select %eq3A_858, %jit3A_859, %jit3A_856 : i32
        %rem3A_861 = arith.remsi %add3A_218, %select_n3A_860 : i32
        %ne3A_862 = arith.constant 0 : i32
        %ne3A_863 = arith.cmpi ne, %rem3A_861, %ne3A_862 : i32
        %lt3A_864 = arith.constant 0 : i32
        %lt3A_865 = arith.cmpi slt, %rem3A_861, %lt3A_864 : i32
        %lt3A_866 = arith.constant 0 : i32
        %lt3A_867 = arith.cmpi slt, %select_n3A_860, %lt3A_866 : i32
        %ne3A_868 = arith.xori %lt3A_865, %lt3A_867 : i1
        %and3A_869 = arith.andi %ne3A_868, %ne3A_863 : i1
        %add3A_870 = arith.addi %rem3A_861, %select_n3A_860 : i32
        %select_n3A_871 = arith.select %and3A_869, %add3A_870, %rem3A_861 : i32
        %ne3A_872 = arith.cmpi ne, %select_n3A_815, %select_n3A_855 : i32
        %ne3A_873 = arith.cmpi ne, %select_n3A_831, %select_n3A_871 : i32
        %or3A_874 = arith.constant false
        %or3A_875 = arith.ori %or3A_874, %ne3A_872 : i1
        %or3A_876 = arith.ori %or3A_875, %ne3A_873 : i1
        %not3A_877 = arith.constant true
        %not3A_878 = arith.xori %eq3A_206, %not3A_877 : i1
        %and3A_879 = arith.andi %or3A_876, %not3A_878 : i1
        %convert_element_type3A_880 = arith.extui %and3A_879 : i1 to i32
        %cond3A_881 = arith.constant 0 : i32
        %cond3A_882 = arith.cmpi ne, %convert_element_type3A_880, %cond3A_881 : i32
        scf.if %cond3A_882 {
        } else {
        }
        %and3A_883 = arith.constant false
        %and3A_884 = arith.andi %and3A_879, %and3A_883 : i1
        %jit3A_885 = arith.constant 8 : i32
        %div3A_886 = arith.divsi %add3A_209, %jit3A_885 : i32
        %sign3A_887 = arith.constant 0 : i32
        %sign3A_888 = arith.cmpi sgt, %add3A_209, %sign3A_887 : i32
        %sign3A_889 = arith.extui %sign3A_888 : i1 to i32
        %sign3A_890 = arith.constant 0 : i32
        %sign3A_891 = arith.cmpi slt, %add3A_209, %sign3A_890 : i32
        %sign3A_892 = arith.extui %sign3A_891 : i1 to i32
        %sign3A_893 = arith.subi %sign3A_889, %sign3A_892 : i32
        %sign3A_894 = arith.constant 0 : i32
        %sign3A_895 = arith.cmpi sgt, %jit3A_885, %sign3A_894 : i32
        %sign3A_896 = arith.extui %sign3A_895 : i1 to i32
        %sign3A_897 = arith.constant 0 : i32
        %sign3A_898 = arith.cmpi slt, %jit3A_885, %sign3A_897 : i32
        %sign3A_899 = arith.extui %sign3A_898 : i1 to i32
        %sign3A_900 = arith.subi %sign3A_896, %sign3A_899 : i32
        %ne3A_901 = arith.cmpi ne, %sign3A_893, %sign3A_900 : i32
        %rem3A_902 = arith.remsi %add3A_209, %jit3A_885 : i32
        %ne3A_903 = arith.constant 0 : i32
        %ne3A_904 = arith.cmpi ne, %rem3A_902, %ne3A_903 : i32
        %and3A_905 = arith.andi %ne3A_901, %ne3A_904 : i1
        %sub3A_906 = arith.constant 1 : i32
        %sub3A_907 = arith.subi %div3A_886, %sub3A_906 : i32
        %select_n3A_908 = arith.select %and3A_905, %sub3A_907, %div3A_886 : i32
        %jit3A_909 = arith.constant 8 : i32
        %eq3A_910 = arith.constant 0 : i32
        %eq3A_911 = arith.cmpi eq, %jit3A_909, %eq3A_910 : i32
        %jit3A_912 = arith.constant 1 : i32
        %select_n3A_913 = arith.select %eq3A_911, %jit3A_912, %jit3A_909 : i32
        %rem3A_914 = arith.remsi %add3A_209, %select_n3A_913 : i32
        %ne3A_915 = arith.constant 0 : i32
        %ne3A_916 = arith.cmpi ne, %rem3A_914, %ne3A_915 : i32
        %lt3A_917 = arith.constant 0 : i32
        %lt3A_918 = arith.cmpi slt, %rem3A_914, %lt3A_917 : i32
        %lt3A_919 = arith.constant 0 : i32
        %lt3A_920 = arith.cmpi slt, %select_n3A_913, %lt3A_919 : i32
        %ne3A_921 = arith.xori %lt3A_918, %lt3A_920 : i1
        %and3A_922 = arith.andi %ne3A_921, %ne3A_916 : i1
        %add3A_923 = arith.addi %rem3A_914, %select_n3A_913 : i32
        %select_n3A_924 = arith.select %and3A_922, %add3A_923, %rem3A_914 : i32
        %jit3A_925 = arith.constant 8 : i32
        %div3A_926 = arith.divsi %add3A_218, %jit3A_925 : i32
        %sign3A_927 = arith.constant 0 : i32
        %sign3A_928 = arith.cmpi sgt, %add3A_218, %sign3A_927 : i32
        %sign3A_929 = arith.extui %sign3A_928 : i1 to i32
        %sign3A_930 = arith.constant 0 : i32
        %sign3A_931 = arith.cmpi slt, %add3A_218, %sign3A_930 : i32
        %sign3A_932 = arith.extui %sign3A_931 : i1 to i32
        %sign3A_933 = arith.subi %sign3A_929, %sign3A_932 : i32
        %sign3A_934 = arith.constant 0 : i32
        %sign3A_935 = arith.cmpi sgt, %jit3A_925, %sign3A_934 : i32
        %sign3A_936 = arith.extui %sign3A_935 : i1 to i32
        %sign3A_937 = arith.constant 0 : i32
        %sign3A_938 = arith.cmpi slt, %jit3A_925, %sign3A_937 : i32
        %sign3A_939 = arith.extui %sign3A_938 : i1 to i32
        %sign3A_940 = arith.subi %sign3A_936, %sign3A_939 : i32
        %ne3A_941 = arith.cmpi ne, %sign3A_933, %sign3A_940 : i32
        %rem3A_942 = arith.remsi %add3A_218, %jit3A_925 : i32
        %ne3A_943 = arith.constant 0 : i32
        %ne3A_944 = arith.cmpi ne, %rem3A_942, %ne3A_943 : i32
        %and3A_945 = arith.andi %ne3A_941, %ne3A_944 : i1
        %sub3A_946 = arith.constant 1 : i32
        %sub3A_947 = arith.subi %div3A_926, %sub3A_946 : i32
        %select_n3A_948 = arith.select %and3A_945, %sub3A_947, %div3A_926 : i32
        %jit3A_949 = arith.constant 8 : i32
        %eq3A_950 = arith.constant 0 : i32
        %eq3A_951 = arith.cmpi eq, %jit3A_949, %eq3A_950 : i32
        %jit3A_952 = arith.constant 1 : i32
        %select_n3A_953 = arith.select %eq3A_951, %jit3A_952, %jit3A_949 : i32
        %rem3A_954 = arith.remsi %add3A_218, %select_n3A_953 : i32
        %ne3A_955 = arith.constant 0 : i32
        %ne3A_956 = arith.cmpi ne, %rem3A_954, %ne3A_955 : i32
        %lt3A_957 = arith.constant 0 : i32
        %lt3A_958 = arith.cmpi slt, %rem3A_954, %lt3A_957 : i32
        %lt3A_959 = arith.constant 0 : i32
        %lt3A_960 = arith.cmpi slt, %select_n3A_953, %lt3A_959 : i32
        %ne3A_961 = arith.xori %lt3A_958, %lt3A_960 : i1
        %and3A_962 = arith.andi %ne3A_961, %ne3A_956 : i1
        %add3A_963 = arith.addi %rem3A_954, %select_n3A_953 : i32
        %select_n3A_964 = arith.select %and3A_962, %add3A_963, %rem3A_954 : i32
        %ne3A_965 = arith.cmpi ne, %select_n3A_908, %select_n3A_948 : i32
        %ne3A_966 = arith.cmpi ne, %select_n3A_924, %select_n3A_964 : i32
        %or3A_967 = arith.constant false
        %or3A_968 = arith.ori %or3A_967, %ne3A_965 : i1
        %or3A_969 = arith.ori %or3A_968, %ne3A_966 : i1
        %not3A_970 = arith.constant true
        %not3A_971 = arith.xori %eq3A_206, %not3A_970 : i1
        %and3A_972 = arith.andi %or3A_969, %not3A_971 : i1
        %convert_element_type3A_973 = arith.extui %and3A_972 : i1 to i32
        %cond3A_974 = arith.constant 0 : i32
        %cond3A_975 = arith.cmpi ne, %convert_element_type3A_973, %cond3A_974 : i32
        scf.if %cond3A_975 {
          "tpu.trace_start"() <{level = 10 : i32, message = "ep_wait_out"}> : () -> ()
          %rem3A_1078 = arith.constant 2 : i32
          %rem3A_1079 = arith.remui %scan3A_203, %rem3A_1078 : i32
          %jit3A_1080 = arith.constant 8 : i32
          %div3A_1081 = arith.divsi %add3A_218, %jit3A_1080 : i32
          %sign3A_1082 = arith.constant 0 : i32
          %sign3A_1083 = arith.cmpi sgt, %add3A_218, %sign3A_1082 : i32
          %sign3A_1084 = arith.extui %sign3A_1083 : i1 to i32
          %sign3A_1085 = arith.constant 0 : i32
          %sign3A_1086 = arith.cmpi slt, %add3A_218, %sign3A_1085 : i32
          %sign3A_1087 = arith.extui %sign3A_1086 : i1 to i32
          %sign3A_1088 = arith.subi %sign3A_1084, %sign3A_1087 : i32
          %sign3A_1089 = arith.constant 0 : i32
          %sign3A_1090 = arith.cmpi sgt, %jit3A_1080, %sign3A_1089 : i32
          %sign3A_1091 = arith.extui %sign3A_1090 : i1 to i32
          %sign3A_1092 = arith.constant 0 : i32
          %sign3A_1093 = arith.cmpi slt, %jit3A_1080, %sign3A_1092 : i32
          %sign3A_1094 = arith.extui %sign3A_1093 : i1 to i32
          %sign3A_1095 = arith.subi %sign3A_1091, %sign3A_1094 : i32
          %ne3A_1096 = arith.cmpi ne, %sign3A_1088, %sign3A_1095 : i32
          %rem3A_1097 = arith.remsi %add3A_218, %jit3A_1080 : i32
          %ne3A_1098 = arith.constant 0 : i32
          %ne3A_1099 = arith.cmpi ne, %rem3A_1097, %ne3A_1098 : i32
          %and3A_1100 = arith.andi %ne3A_1096, %ne3A_1099 : i1
          %sub3A_1101 = arith.constant 1 : i32
          %sub3A_1102 = arith.subi %div3A_1081, %sub3A_1101 : i32
          %select_n3A_1103 = arith.select %and3A_1100, %sub3A_1102, %div3A_1081 : i32
          %jit3A_1104 = arith.constant 8 : i32
          %eq3A_1105 = arith.constant 0 : i32
          %eq3A_1106 = arith.cmpi eq, %jit3A_1104, %eq3A_1105 : i32
          %jit3A_1107 = arith.constant 1 : i32
          %select_n3A_1108 = arith.select %eq3A_1106, %jit3A_1107, %jit3A_1104 : i32
          %rem3A_1109 = arith.remsi %add3A_218, %select_n3A_1108 : i32
          %ne3A_1110 = arith.constant 0 : i32
          %ne3A_1111 = arith.cmpi ne, %rem3A_1109, %ne3A_1110 : i32
          %lt3A_1112 = arith.constant 0 : i32
          %lt3A_1113 = arith.cmpi slt, %rem3A_1109, %lt3A_1112 : i32
          %lt3A_1114 = arith.constant 0 : i32
          %lt3A_1115 = arith.cmpi slt, %select_n3A_1108, %lt3A_1114 : i32
          %ne3A_1116 = arith.xori %lt3A_1113, %lt3A_1115 : i1
          %and3A_1117 = arith.andi %ne3A_1116, %ne3A_1111 : i1
          %add3A_1118 = arith.addi %rem3A_1109, %select_n3A_1108 : i32
          %select_n3A_1119 = arith.select %and3A_1117, %add3A_1118, %rem3A_1109 : i32
          %mul3A_1120 = arith.constant 1 : i32
          %mul3A_1121 = arith.muli %mul3A_1120, %select_n3A_1103 : i32
          %mul3A_1122 = arith.constant 512 : i32
          %mul3A_1123 = arith.muli %mul3A_1122, %select_n3A_1119 : i32
          %dma_wait3A_1124 = arith.constant 0 : i32
          %dma_wait3A_1125 = arith.constant 0 : i32
          %dma_wait3A_1126 = arith.constant 0 : i32
          %dma_wait3A_1127 = tpu.memref_slice %run_scoped3A_8[%rem3A_1079, %dma_wait3A_1124, %dma_wait3A_1125, %dma_wait3A_1126] : memref<2x7x1x512xf32, #tpu.memory_space<vmem>> -> memref<1x7x1x512xf32, #tpu.memory_space<vmem>>
          %dma_wait3A_1128 = tpu.memref_squeeze %dma_wait3A_1127 : memref<1x7x1x512xf32, #tpu.memory_space<vmem>> -> memref<7x1x512xf32, #tpu.memory_space<vmem>>
          %dma_wait3A_1129 = arith.constant 0 : i32
          %dma_wait3A_1130 = tpu.memref_slice %arg4[%dma_wait3A_1129, %mul3A_1121, %mul3A_1123] : memref<7x16x4096xf32, #tpu.memory_space<hbm>> -> memref<7x1x512xf32, #tpu.memory_space<hbm>>
          %dma_wait3A_1131 = tpu.memref_slice %run_scoped3A_9[%rem3A_1079] : memref<2x!tpu.dma_semaphore, #tpu.memory_space<semaphore_mem>> -> memref<1x!tpu.dma_semaphore, #tpu.memory_space<semaphore_mem>>
          %dma_wait3A_1132 = tpu.memref_squeeze %dma_wait3A_1131 : memref<1x!tpu.dma_semaphore, #tpu.memory_space<semaphore_mem>> -> memref<!tpu.dma_semaphore, #tpu.memory_space<semaphore_mem>>
          %dma_wait3A_1133 = arith.constant 0 : i32
          %dma_wait3A_1134 = tpu.memref_slice %arg4[%dma_wait3A_1133, %mul3A_1121, %mul3A_1123] : memref<7x16x4096xf32, #tpu.memory_space<hbm>> -> memref<7x1x512xf32, #tpu.memory_space<hbm>>
          %dma_wait3A_1135 = arith.constant 0 : i32
          %dma_wait3A_1136 = arith.constant 0 : i32
          %dma_wait3A_1137 = arith.constant 0 : i32
          %dma_wait3A_1138 = tpu.memref_slice %run_scoped3A_8[%rem3A_1079, %dma_wait3A_1135, %dma_wait3A_1136, %dma_wait3A_1137] : memref<2x7x1x512xf32, #tpu.memory_space<vmem>> -> memref<1x7x1x512xf32, #tpu.memory_space<vmem>>
          %dma_wait3A_1139 = tpu.memref_squeeze %dma_wait3A_1138 : memref<1x7x1x512xf32, #tpu.memory_space<vmem>> -> memref<7x1x512xf32, #tpu.memory_space<vmem>>
          tpu.wait_dma2 semaphore(%dma_wait3A_1132 : memref<!tpu.dma_semaphore, #tpu.memory_space<semaphore_mem>>) src(%dma_wait3A_1139 : memref<7x1x512xf32, #tpu.memory_space<vmem>>) dst(%dma_wait3A_1134 : memref<7x1x512xf32, #tpu.memory_space<hbm>>)
          "tpu.trace_stop"() : () -> ()
        } else {
        }
        %and3A_976 = arith.constant true
        %and3A_977 = arith.andi %and3A_972, %and3A_976 : i1
        %add3A_978 = arith.constant 1 : i32
        %add3A_979 = arith.addi %scan3A_203, %add3A_978 : i32
        %select_n3A_980 = arith.select %and3A_977, %add3A_979, %scan3A_203 : i32
        %jit3A_981 = arith.constant 8 : i32
        %div3A_982 = arith.divsi %add3A_209, %jit3A_981 : i32
        %sign3A_983 = arith.constant 0 : i32
        %sign3A_984 = arith.cmpi sgt, %add3A_209, %sign3A_983 : i32
        %sign3A_985 = arith.extui %sign3A_984 : i1 to i32
        %sign3A_986 = arith.constant 0 : i32
        %sign3A_987 = arith.cmpi slt, %add3A_209, %sign3A_986 : i32
        %sign3A_988 = arith.extui %sign3A_987 : i1 to i32
        %sign3A_989 = arith.subi %sign3A_985, %sign3A_988 : i32
        %sign3A_990 = arith.constant 0 : i32
        %sign3A_991 = arith.cmpi sgt, %jit3A_981, %sign3A_990 : i32
        %sign3A_992 = arith.extui %sign3A_991 : i1 to i32
        %sign3A_993 = arith.constant 0 : i32
        %sign3A_994 = arith.cmpi slt, %jit3A_981, %sign3A_993 : i32
        %sign3A_995 = arith.extui %sign3A_994 : i1 to i32
        %sign3A_996 = arith.subi %sign3A_992, %sign3A_995 : i32
        %ne3A_997 = arith.cmpi ne, %sign3A_989, %sign3A_996 : i32
        %rem3A_998 = arith.remsi %add3A_209, %jit3A_981 : i32
        %ne3A_999 = arith.constant 0 : i32
        %ne3A_1000 = arith.cmpi ne, %rem3A_998, %ne3A_999 : i32
        %and3A_1001 = arith.andi %ne3A_997, %ne3A_1000 : i1
        %sub3A_1002 = arith.constant 1 : i32
        %sub3A_1003 = arith.subi %div3A_982, %sub3A_1002 : i32
        %select_n3A_1004 = arith.select %and3A_1001, %sub3A_1003, %div3A_982 : i32
        %jit3A_1005 = arith.constant 8 : i32
        %eq3A_1006 = arith.constant 0 : i32
        %eq3A_1007 = arith.cmpi eq, %jit3A_1005, %eq3A_1006 : i32
        %jit3A_1008 = arith.constant 1 : i32
        %select_n3A_1009 = arith.select %eq3A_1007, %jit3A_1008, %jit3A_1005 : i32
        %rem3A_1010 = arith.remsi %add3A_209, %select_n3A_1009 : i32
        %ne3A_1011 = arith.constant 0 : i32
        %ne3A_1012 = arith.cmpi ne, %rem3A_1010, %ne3A_1011 : i32
        %lt3A_1013 = arith.constant 0 : i32
        %lt3A_1014 = arith.cmpi slt, %rem3A_1010, %lt3A_1013 : i32
        %lt3A_1015 = arith.constant 0 : i32
        %lt3A_1016 = arith.cmpi slt, %select_n3A_1009, %lt3A_1015 : i32
        %ne3A_1017 = arith.xori %lt3A_1014, %lt3A_1016 : i1
        %and3A_1018 = arith.andi %ne3A_1017, %ne3A_1012 : i1
        %add3A_1019 = arith.addi %rem3A_1010, %select_n3A_1009 : i32
        %select_n3A_1020 = arith.select %and3A_1018, %add3A_1019, %rem3A_1010 : i32
        %jit3A_1021 = arith.constant 8 : i32
        %div3A_1022 = arith.divsi %add3A_227, %jit3A_1021 : i32
        %sign3A_1023 = arith.constant 0 : i32
        %sign3A_1024 = arith.cmpi sgt, %add3A_227, %sign3A_1023 : i32
        %sign3A_1025 = arith.extui %sign3A_1024 : i1 to i32
        %sign3A_1026 = arith.constant 0 : i32
        %sign3A_1027 = arith.cmpi slt, %add3A_227, %sign3A_1026 : i32
        %sign3A_1028 = arith.extui %sign3A_1027 : i1 to i32
        %sign3A_1029 = arith.subi %sign3A_1025, %sign3A_1028 : i32
        %sign3A_1030 = arith.constant 0 : i32
        %sign3A_1031 = arith.cmpi sgt, %jit3A_1021, %sign3A_1030 : i32
        %sign3A_1032 = arith.extui %sign3A_1031 : i1 to i32
        %sign3A_1033 = arith.constant 0 : i32
        %sign3A_1034 = arith.cmpi slt, %jit3A_1021, %sign3A_1033 : i32
        %sign3A_1035 = arith.extui %sign3A_1034 : i1 to i32
        %sign3A_1036 = arith.subi %sign3A_1032, %sign3A_1035 : i32
        %ne3A_1037 = arith.cmpi ne, %sign3A_1029, %sign3A_1036 : i32
        %rem3A_1038 = arith.remsi %add3A_227, %jit3A_1021 : i32
        %ne3A_1039 = arith.constant 0 : i32
        %ne3A_1040 = arith.cmpi ne, %rem3A_1038, %ne3A_1039 : i32
        %and3A_1041 = arith.andi %ne3A_1037, %ne3A_1040 : i1
        %sub3A_1042 = arith.constant 1 : i32
        %sub3A_1043 = arith.subi %div3A_1022, %sub3A_1042 : i32
        %select_n3A_1044 = arith.select %and3A_1041, %sub3A_1043, %div3A_1022 : i32
        %jit3A_1045 = arith.constant 8 : i32
        %eq3A_1046 = arith.constant 0 : i32
        %eq3A_1047 = arith.cmpi eq, %jit3A_1045, %eq3A_1046 : i32
        %jit3A_1048 = arith.constant 1 : i32
        %select_n3A_1049 = arith.select %eq3A_1047, %jit3A_1048, %jit3A_1045 : i32
        %rem3A_1050 = arith.remsi %add3A_227, %select_n3A_1049 : i32
        %ne3A_1051 = arith.constant 0 : i32
        %ne3A_1052 = arith.cmpi ne, %rem3A_1050, %ne3A_1051 : i32
        %lt3A_1053 = arith.constant 0 : i32
        %lt3A_1054 = arith.cmpi slt, %rem3A_1050, %lt3A_1053 : i32
        %lt3A_1055 = arith.constant 0 : i32
        %lt3A_1056 = arith.cmpi slt, %select_n3A_1049, %lt3A_1055 : i32
        %ne3A_1057 = arith.xori %lt3A_1054, %lt3A_1056 : i1
        %and3A_1058 = arith.andi %ne3A_1057, %ne3A_1052 : i1
        %add3A_1059 = arith.addi %rem3A_1050, %select_n3A_1049 : i32
        %select_n3A_1060 = arith.select %and3A_1058, %add3A_1059, %rem3A_1050 : i32
        %ne3A_1061 = arith.cmpi ne, %select_n3A_1004, %select_n3A_1044 : i32
        %ne3A_1062 = arith.cmpi ne, %select_n3A_1020, %select_n3A_1060 : i32
        %or3A_1063 = arith.constant false
        %or3A_1064 = arith.ori %or3A_1063, %ne3A_1061 : i1
        %or3A_1065 = arith.ori %or3A_1064, %ne3A_1062 : i1
        %or3A_1066 = arith.ori %or3A_1065, %eq3A_208 : i1
        %add3A_1067 = arith.constant 1 : i32
        %add3A_1068 = arith.addi %scan3A_201, %add3A_1067 : i32
        %select_n3A_1069 = arith.select %or3A_1066, %add3A_1068, %scan3A_201 : i32
        %add3A_1070 = arith.constant 1 : i32
        %add3A_1071 = arith.addi %scan3A_204, %add3A_1070 : i32
        %select_n3A_1072 = arith.constant true
        %select_n3A_1073 = arith.select %select_n3A_1072, %add3A_1071, %scan3A_204 : i32
        %eq3A_1074 = arith.constant 4 : i32
        %eq3A_1075 = arith.cmpi eq, %select_n3A_1073, %eq3A_1074 : i32
        %select_n3A_1076 = arith.constant 0 : i32
        %select_n3A_1077 = arith.select %eq3A_1075, %select_n3A_1076, %select_n3A_1073 : i32
        scf.yield %select_n3A_329, %select_n3A_1069, %select_n3A_791, %select_n3A_980, %select_n3A_1077 : i32, i32, i32, i32, i32
      }
      %scan3A_101 = arith.constant 4 : i32
      %sub3A_102 = arith.constant 1 : i32
      %sub3A_103 = arith.subi %scan3A_100#4, %sub3A_102 : i32
      %select_n3A_104 = arith.constant true
      %select_n3A_105 = arith.select %select_n3A_104, %sub3A_103, %scan3A_100#4 : i32
      %eq3A_106 = arith.constant -1 : i32
      %eq3A_107 = arith.cmpi eq, %select_n3A_105, %eq3A_106 : i32
      %select_n3A_108 = arith.constant 3 : i32
      %select_n3A_109 = arith.select %eq3A_107, %select_n3A_108, %select_n3A_105 : i32
      %add3A_110 = arith.addi %select_n3A_109, %mul3A_6 : i32
      %sub3A_111 = arith.constant 1 : i32
      %sub3A_112 = arith.subi %select_n3A_109, %sub3A_111 : i32
      %select_n3A_113 = arith.constant true
      %select_n3A_114 = arith.select %select_n3A_113, %sub3A_112, %select_n3A_109 : i32
      %eq3A_115 = arith.constant -1 : i32
      %eq3A_116 = arith.cmpi eq, %select_n3A_114, %eq3A_115 : i32
      %select_n3A_117 = arith.constant 3 : i32
      %select_n3A_118 = arith.select %eq3A_116, %select_n3A_117, %select_n3A_114 : i32
      %add3A_119 = arith.addi %select_n3A_118, %mul3A_6 : i32
      %add3A_120 = arith.constant 1 : i32
      %add3A_121 = arith.addi %select_n3A_109, %add3A_120 : i32
      %select_n3A_122 = arith.constant true
      %select_n3A_123 = arith.select %select_n3A_122, %add3A_121, %select_n3A_109 : i32
      %eq3A_124 = arith.constant 4 : i32
      %eq3A_125 = arith.cmpi eq, %select_n3A_123, %eq3A_124 : i32
      %select_n3A_126 = arith.constant 0 : i32
      %select_n3A_127 = arith.select %eq3A_125, %select_n3A_126, %select_n3A_123 : i32
      %add3A_128 = arith.addi %select_n3A_127, %mul3A_6 : i32
      %add3A_129 = arith.constant 1 : i32
      %add3A_130 = arith.addi %select_n3A_127, %add3A_129 : i32
      %select_n3A_131 = arith.constant true
      %select_n3A_132 = arith.select %select_n3A_131, %add3A_130, %select_n3A_127 : i32
      %eq3A_133 = arith.constant 4 : i32
      %eq3A_134 = arith.cmpi eq, %select_n3A_132, %eq3A_133 : i32
      %select_n3A_135 = arith.constant 0 : i32
      %select_n3A_136 = arith.select %eq3A_134, %select_n3A_135, %select_n3A_132 : i32
      %add3A_137 = arith.addi %select_n3A_136, %mul3A_6 : i32
      "tpu.trace_start"() <{level = 10 : i32, message = "ep_finalize"}> : () -> ()
      %rem3A_138 = arith.constant 2 : i32
      %rem3A_139 = arith.remui %scan3A_100#3, %rem3A_138 : i32
      %jit3A_140 = arith.constant 8 : i32
      %div3A_141 = arith.divsi %add3A_110, %jit3A_140 : i32
      %sign3A_142 = arith.constant 0 : i32
      %sign3A_143 = arith.cmpi sgt, %add3A_110, %sign3A_142 : i32
      %sign3A_144 = arith.extui %sign3A_143 : i1 to i32
      %sign3A_145 = arith.constant 0 : i32
      %sign3A_146 = arith.cmpi slt, %add3A_110, %sign3A_145 : i32
      %sign3A_147 = arith.extui %sign3A_146 : i1 to i32
      %sign3A_148 = arith.subi %sign3A_144, %sign3A_147 : i32
      %sign3A_149 = arith.constant 0 : i32
      %sign3A_150 = arith.cmpi sgt, %jit3A_140, %sign3A_149 : i32
      %sign3A_151 = arith.extui %sign3A_150 : i1 to i32
      %sign3A_152 = arith.constant 0 : i32
      %sign3A_153 = arith.cmpi slt, %jit3A_140, %sign3A_152 : i32
      %sign3A_154 = arith.extui %sign3A_153 : i1 to i32
      %sign3A_155 = arith.subi %sign3A_151, %sign3A_154 : i32
      %ne3A_156 = arith.cmpi ne, %sign3A_148, %sign3A_155 : i32
      %rem3A_157 = arith.remsi %add3A_110, %jit3A_140 : i32
      %ne3A_158 = arith.constant 0 : i32
      %ne3A_159 = arith.cmpi ne, %rem3A_157, %ne3A_158 : i32
      %and3A_160 = arith.andi %ne3A_156, %ne3A_159 : i1
      %sub3A_161 = arith.constant 1 : i32
      %sub3A_162 = arith.subi %div3A_141, %sub3A_161 : i32
      %select_n3A_163 = arith.select %and3A_160, %sub3A_162, %div3A_141 : i32
      %jit3A_164 = arith.constant 8 : i32
      %eq3A_165 = arith.constant 0 : i32
      %eq3A_166 = arith.cmpi eq, %jit3A_164, %eq3A_165 : i32
      %jit3A_167 = arith.constant 1 : i32
      %select_n3A_168 = arith.select %eq3A_166, %jit3A_167, %jit3A_164 : i32
      %rem3A_169 = arith.remsi %add3A_110, %select_n3A_168 : i32
      %ne3A_170 = arith.constant 0 : i32
      %ne3A_171 = arith.cmpi ne, %rem3A_169, %ne3A_170 : i32
      %lt3A_172 = arith.constant 0 : i32
      %lt3A_173 = arith.cmpi slt, %rem3A_169, %lt3A_172 : i32
      %lt3A_174 = arith.constant 0 : i32
      %lt3A_175 = arith.cmpi slt, %select_n3A_168, %lt3A_174 : i32
      %ne3A_176 = arith.xori %lt3A_173, %lt3A_175 : i1
      %and3A_177 = arith.andi %ne3A_176, %ne3A_171 : i1
      %add3A_178 = arith.addi %rem3A_169, %select_n3A_168 : i32
      %select_n3A_179 = arith.select %and3A_177, %add3A_178, %rem3A_169 : i32
      %mul3A_180 = arith.constant 1 : i32
      %mul3A_181 = arith.muli %mul3A_180, %select_n3A_163 : i32
      %mul3A_182 = arith.constant 512 : i32
      %mul3A_183 = arith.muli %mul3A_182, %select_n3A_179 : i32
      %dma_wait3A = arith.constant 0 : i32
      %dma_wait3A_184 = arith.constant 0 : i32
      %dma_wait3A_185 = arith.constant 0 : i32
      %dma_wait3A_186 = tpu.memref_slice %run_scoped3A_8[%rem3A_139, %dma_wait3A, %dma_wait3A_184, %dma_wait3A_185] : memref<2x7x1x512xf32, #tpu.memory_space<vmem>> -> memref<1x7x1x512xf32, #tpu.memory_space<vmem>>
      %dma_wait3A_187 = tpu.memref_squeeze %dma_wait3A_186 : memref<1x7x1x512xf32, #tpu.memory_space<vmem>> -> memref<7x1x512xf32, #tpu.memory_space<vmem>>
      %dma_wait3A_188 = arith.constant 0 : i32
      %dma_wait3A_189 = tpu.memref_slice %arg4[%dma_wait3A_188, %mul3A_181, %mul3A_183] : memref<7x16x4096xf32, #tpu.memory_space<hbm>> -> memref<7x1x512xf32, #tpu.memory_space<hbm>>
      %dma_wait3A_190 = tpu.memref_slice %run_scoped3A_9[%rem3A_139] : memref<2x!tpu.dma_semaphore, #tpu.memory_space<semaphore_mem>> -> memref<1x!tpu.dma_semaphore, #tpu.memory_space<semaphore_mem>>
      %dma_wait3A_191 = tpu.memref_squeeze %dma_wait3A_190 : memref<1x!tpu.dma_semaphore, #tpu.memory_space<semaphore_mem>> -> memref<!tpu.dma_semaphore, #tpu.memory_space<semaphore_mem>>
      %dma_wait3A_192 = arith.constant 0 : i32
      %dma_wait3A_193 = tpu.memref_slice %arg4[%dma_wait3A_192, %mul3A_181, %mul3A_183] : memref<7x16x4096xf32, #tpu.memory_space<hbm>> -> memref<7x1x512xf32, #tpu.memory_space<hbm>>
      %dma_wait3A_194 = arith.constant 0 : i32
      %dma_wait3A_195 = arith.constant 0 : i32
      %dma_wait3A_196 = arith.constant 0 : i32
      %dma_wait3A_197 = tpu.memref_slice %run_scoped3A_8[%rem3A_139, %dma_wait3A_194, %dma_wait3A_195, %dma_wait3A_196] : memref<2x7x1x512xf32, #tpu.memory_space<vmem>> -> memref<1x7x1x512xf32, #tpu.memory_space<vmem>>
      %dma_wait3A_198 = tpu.memref_squeeze %dma_wait3A_197 : memref<1x7x1x512xf32, #tpu.memory_space<vmem>> -> memref<7x1x512xf32, #tpu.memory_space<vmem>>
      tpu.wait_dma2 semaphore(%dma_wait3A_191 : memref<!tpu.dma_semaphore, #tpu.memory_space<semaphore_mem>>) src(%dma_wait3A_198 : memref<7x1x512xf32, #tpu.memory_space<vmem>>) dst(%dma_wait3A_193 : memref<7x1x512xf32, #tpu.memory_space<hbm>>)
      "tpu.trace_stop"() : () -> ()
      tpu.yield
    }) : () -> ()
    return
  }
}

</mosaic_0001>

<sc_bundles>
// kernel: kernel.3.cloned.1.call-start
scs
__scs_entry_jumppad:
0x0: {  	(pc) =	sbr.rel $0x88, $3  }
0x1: {  	(tag) =	ssettag $0x0;
	lr =	simm.s32 $0x1  }
0x2: {  	[smem:$0x3F9F] =	sst lr;
	_ =	strace $0xD0000000  }
0x3: {  	_ = 	snop  }
0x4: {  	_ = 	snop  }
0x5: {  	_ = 	snop  }
0x6: {  	_ = 	snop  }
0x7: {  	_ = 	snop  }
__scs_overlays_trampoline_lowered:
0x8: {  	[smem:$0x3FAE] =	sst s0  }
0x9: {  	[smem:$0x3FAF] =	sst s1  }
0xa: {  	[smem:$0x3FB0] =	sst s2  }
0xb: {  	[smem:$0x3FB1] =	sst s3  }
0xc: {  	[smem:$0x3FB2] =	sst s4  }
0xd: {  	[smem:$0x3FB3] =	sst s5  }
0xe: {  	[smem:$0x3FB4] =	sst s6  }
0xf: {  	[smem:$0x3FB5] =	sst s7  }
0x10: {  	[smem:$0x3FB6] =	sst s8  }
0x11: {  	[smem:$0x3FB7] =	sst s9;
	s0 =	simm.s32 @!p0 $0x0  }
0x12: {  	s1 =	sld [smem:$0x3F9D];
	s0 =	simm.s32 @p0 $0x1  }
0x13: {  	[smem:$0x3FB8] =	sst s0;
	s0 =	simm.s32 @!p1 $0x0  }
0x14: {  	s2 =	sld [smem:$0x3F9C];
	s0 =	simm.s32 @p1 $0x1  }
0x15: {  	[smem:$0x3FB9] =	sst s0;
	s0 =	simm.s32 @!p2 $0x0  }
0x16: {  	s3 =	sld [smem:$0x3FDB];
	s0 =	simm.s32 @p2 $0x1  }
0x17: {  	s4 =	simm.s32 $0x1BF5;
	[smem:$0x3FBB] =	sst s0  }
0x18: {  	s0 =	sld [smem:$0x3F9E];
	_ =	swait.ge [sflag:s4], $0x0  }
0x19: {  	s7 =	sld [smem:$0x3F9F]  }
0x1a: {  	s8 =	sadd.s32 $0xFFFFE003, lr  }
0x1b: {  	s9 =	sadd.s32 $0xFFFFFEF7, lr;
	s5 =	simm.s32 $0xFFFFFFFF;
	p2 =	slt.u32 s8, $0xFFFFF086  }
0x1c: {  	p1 =	slt.u32 s9, $0xF7A;
	s5 =	simm.s32 @!p2 $0x0  }
0x1d: {  	s5 =	simm.s32 @p1 $0x1;
	p0 =	seq.s32 s7, s2  }
0x1e: {  	s7 =	smul.u32 @!p0 $0xF7A, s2;
	p2 =	seq.s32 @!p0 s5, $0x0  }
0x1f: {  	s9 =	smul.u32 $0xF7A, s1;
	s8 =	simm.s32 @!p0 $0x1BF5;
	p2 =	por !p2, p0  }
0x20: {  	[sflag:s8] =	ssyncset.s32 @!p0 $0xFFFFF086;
	s6 =	sadd.s32 @!p0 s3, s7;
	s7 =	simm.s32 @!p0 $0x108  }
0x21: {  	s3 =	sadd.s32 s3, s9;
	s6 =	sadd.s32 @!p0 $0x88, s6;
	s7 =	simm.s32 @p2 $0x1082  }
0x22: {  	[simem:s7], [sflag:s8] =	dma.local @!p0 [hbm:s6], $0xF7A  }
0x23: {  	s9 =	sor.u32 $0xD0000000, s2;
	s6 =	simm.s32 $0x108;
	_ =	swait.ge @!p0 [sflag:s8], $0x0  }
0x24: {  	s3 =	sadd.s32 $0x88, s3;
	s6 =	simm.s32 @!p1 $0x1082;
	[sflag:s4] =	ssyncset.s32 $0xFFFFF086  }
0x25: {  	[simem:s6], [sflag:s4] =	dma.local [hbm:s3], $0xF7A  }
0x26: {  	[smem:$0x3F9F] =	sst s1;
	(tag) =	ssettag s2;
	_ =	strace s9  }
0x27: {  	s1 =	sld [smem:$0x3FAF]  }
0x28: {  	s2 =	sld [smem:$0x3FB0]  }
0x29: {  	s4 =	sld [smem:$0x3FB2]  }
0x2a: {  	p0 =	seq.s32 s5, $0x0;
	s5 =	sld [smem:$0x3FB3]  }
0x2b: {  	s6 =	sld [smem:$0x3FB4]  }
0x2c: {  	s7 =	sld [smem:$0x3FB5]  }
0x2d: {  	s3 =	simm.s32 $0x108;
	s8 =	sld [smem:$0x3FB6]  }
0x2e: {  	s3 =	simm.s32 @!p0 $0x1082;
	s9 =	sld [smem:$0x3FB7]  }
0x2f: {  	lr =	sadd.s32 s0, s3;
	s0 =	sld [smem:$0x3FAE]  }
0x30: {  	s3 =	sld [smem:$0x3FB1]  }
0x31: {  	[smem:$0x3FBA] =	sst s10  }
0x32: {  	s10 =	sld [smem:$0x3FB8];
	_ =	sdelay $0x3  }
0x33: {  	p0 =	seq.s32 s10, $0x1;
	s10 =	sld [smem:$0x3FBA];
	_ =	sdelay $0x3  }
0x34: {  	[smem:$0x3FBA] =	sst s10  }
0x35: {  	s10 =	sld [smem:$0x3FB9];
	_ =	sdelay $0x3  }
0x36: {  	p1 =	seq.s32 s10, $0x1;
	s10 =	sld [smem:$0x3FBA];
	_ =	sdelay $0x3  }
0x37: {  	[smem:$0x3FBA] =	sst s10  }
0x38: {  	s10 =	sld [smem:$0x3FBB]  }
0x39: {  	_ = 	snop;
	(pc) =	sbr.ind lr, $3  }
0x3a: {  	_ = 	snop  }
0x3b: {  	_ = 	snop  }
0x3c: {  	p2 =	seq.s32 s10, $0x1;
	s10 =	sld [smem:$0x3FBA]  }
0x3d: {  	_ =	shalt  }
0x3e: {  	_ =	shalt  }
0x3f: {  	_ =	shalt  }
0x40: {  	_ =	shalt  }
0x41: {  	_ =	shalt  }
0x42: {  	_ =	shalt  }
0x43: {  	_ =	shalt  }
0x44: {  	_ =	shalt  }
0x45: {  	_ =	shalt  }
0x46: {  	_ =	shalt  }
0x47: {  	_ =	shalt  }
0x48: {  	_ =	shalt  }
0x49: {  	_ =	shalt  }
0x4a: {  	_ =	shalt  }
0x4b: {  	_ =	shalt  }
0x4c: {  	_ =	shalt  }
0x4d: {  	_ =	shalt  }
0x4e: {  	_ =	shalt  }
0x4f: {  	_ =	shalt  }
0x50: {  	_ =	shalt  }
0x51: {  	_ =	shalt  }
0x52: {  	_ =	shalt  }
0x53: {  	_ =	shalt  }
0x54: {  	_ =	shalt  }
0x55: {  	_ =	shalt  }
0x56: {  	_ =	shalt  }
0x57: {  	_ =	shalt  }
0x58: {  	_ =	shalt  }
0x59: {  	_ =	shalt  }
0x5a: {  	_ =	shalt  }
0x5b: {  	_ =	shalt  }
0x5c: {  	_ =	shalt  }
0x5d: {  	_ =	shalt  }
0x5e: {  	_ =	shalt  }
0x5f: {  	_ =	shalt  }
0x60: {  	_ =	shalt  }
0x61: {  	_ =	shalt  }
0x62: {  	_ =	shalt  }
0x63: {  	_ =	shalt  }
0x64: {  	_ =	shalt  }
0x65: {  	_ =	shalt  }
0x66: {  	_ =	shalt  }
0x67: {  	_ =	shalt  }
0x68: {  	_ =	shalt  }
0x69: {  	_ =	shalt  }
0x6a: {  	_ =	shalt  }
0x6b: {  	_ =	shalt  }
0x6c: {  	_ =	shalt  }
0x6d: {  	_ =	shalt  }
0x6e: {  	_ =	shalt  }
0x6f: {  	_ =	shalt  }
0x70: {  	_ =	shalt  }
0x71: {  	_ =	shalt  }
0x72: {  	_ =	shalt  }
0x73: {  	_ =	shalt  }
0x74: {  	_ =	shalt  }
0x75: {  	_ =	shalt  }
0x76: {  	_ =	shalt  }
0x77: {  	_ =	shalt  }
0x78: {  	_ =	shalt  }
0x79: {  	_ =	shalt  }
0x7a: {  	_ =	shalt  }
0x7b: {  	_ =	shalt  }
0x7c: {  	_ =	shalt  }
0x7d: {  	_ =	shalt  }
0x7e: {  	_ =	shalt  }
0x7f: {  	_ =	shalt  }
0x80: {  	_ =	shalt  }
0x81: {  	_ =	shalt  }
0x82: {  	_ =	shalt  }
0x83: {  	_ =	shalt  }
0x84: {  	_ =	shalt  }
0x85: {  	_ =	shalt  }
0x86: {  	_ =	shalt  }
0x87: {  	_ =	shalt  }
.Lfunc_end0:
.L_simem_size_0:
called_computation_lowered:
.L_overlay_start_0:
0x88: {  	s2 =	sld [smem:$0x3FD9]  }
0x89: {  	s3 =	sld [smem:$0x3FFE];
	_ =	sdelay $0x1  }
0x8a: {  	s1 =	srdreg.scid  }
0x8b: {  	s0 =	sand.u32 $0x1, s1  }
0x8c: {  	s17 =	sshll.u32 s0, $0xA;
	s2 =	sadd.s32 s3, s2  }
0x8d: {  	s2 =	sadd.s32 s2, s17  }
0x8e: {  	[smem:$0x3FC6] =	sst s2  }
0x8f: {  	_ = 	snop  }
0x90: {  	s2 =	sld [smem:$0x3FC9]  }
0x91: {  	s18 =	sld [smem:$0x3FD0];
	(tm) =	ssettm $0x1  }
0x92: {  	s4 =	sld [smem:$0x3FFB];
	_ =	sdelay $0x3  }
0x93: {  	_ =	strace s4  }
0x94: {  	s4 =	sld [smem:$0x3FFC];
	_ =	sdelay $0x3  }
0x95: {  	_ =	strace s4  }
0x96: {  	s4 =	sld [smem:$0x3FFD];
	_ =	sdelay $0x3  }
0x97: {  	_ =	strace s4  }
0x98: {  	_ =	strace $0x8FFFFFFF  }
0x99: {  	s19 =	sld [smem:$0x3FDB];
	_ =	sdelay $0x1  }
0x9a: {  	s5 =	simm.s32 $_scs_section_size  }
0x9b: {  	s6 =	simm.s32 $_size__tile_overlayer_lowered;
	s7 =	simm.s32 $_tile_overlayer_lowered  }
0x9c: {  	s22 =	simm.s32 $0x1BFF;
	s21 =	sshll.u32 s7, $0x1;
	s4 =	sadd.s32 s5, s19  }
0x9d: {  	s8 =	simm.s32 $0x0;
	s20 =	sshll.u32 s6, $0x1;
	s6 =	sadd.s32 s21, s4  }
0x9e: {  	[timem:s8], [sflag:s22] =	dma.local [hbm:s6], s20  }
0x9f: {  	_ =	swait.ge [sflag:s22], s20  }
0xa0: {  	s5 =	ssub.s32 $0x0, s20;
	[sflag:s22] =	ssyncset.done $0x0  }
0xa1: {  	[sflag:s22] =	ssyncadd.s32 s5;
	_ =	sdelay $0x1  }
0xa2: {  	s23 =	simm.s32 $0x1B8B  }
0xa3: {  	_ =	swait.ge [sflag:s23], $0x1  }
0xa4: {  	[sflag:s23] =	ssyncset.done $0x0  }
0xa5: {  	s25 =	simm.s32 $0x1B8E;
	s24 =	sld [smem:$0x3FFE];
	[sflag:s23] =	ssyncadd.s32 $0xFFFFFFFF  }
0xa6: {  	s26 =	simm.s32 $execute0_lowered;
	[smem:$0x3FD2] =	sst s25  }
0xa7: {  	s6 =	sshll.u32 s26, $0x1;
	_ =	strace $0x80000046;
	[dreg:$0x1] =	wrdreg $0xFFFFFFFF  }
0xa8: {  	s28 =	simm.s32 $_size_execute0_lowered;
	s4 =	sadd.s32 s4, s6;
	[dreg:$0x0] =	wrdreg $0x0  }
0xa9: {  	s6 =	sshll.u32 s28, $0x1;
	[dreg:$0x2] =	wrdreg s4  }
0xaa: {  	[dreg:$0x3] =	wrdreg s6  }
0xab: {  	[dreg:$0x4] =	wrdreg $0xC0  }
0xac: {  	_ =	task [dreg:s8], $0x5FFFF  }
0xad: {  	[dreg:$0x1] =	wrdreg $0xFFFFFFFF  }
0xae: {  	[dreg:$0x0] =	wrdreg $0x60  }
0xaf: {  	[dreg:$0x2] =	wrdreg s2  }
0xb0: {  	[dreg:$0x3] =	wrdreg s24  }
0xb1: {  	[dreg:$0x4] =	wrdreg s18  }
0xb2: {  	[dreg:$0x5] =	wrdreg $0x9  }
0xb3: {  	_ =	task.clear_ibuf [dreg:s8], $0x6FFFF;
	_ =	strace $0x90000046  }
0xb4: {  	s29 =	simm.s32 $0x9;
	_ =	strace $0x8000004F  }
0xb5: {  	_ =	swait.ge [sflag:s29], $0x1  }
0xb6: {  	[sflag:s29] =	ssyncadd.s32 $0xFFFFFFFF  }
0xb7: {  	_ =	strace $0x9000004F  }
0xb8: {  	_ =	sfence  }
0xb9: {  	s30 =	sld [smem:$0x0];
	_ =	sdelay $0x2  }
0xba: {  	s31 =	sshll.u32 s1, $0xD;
	s1 =	sshrl.u32 s1, $0x2  }
0xbb: {  	s3 =	sand.u32 $0x4000, s31;
	s1 =	sadd.s32 s1, s30  }
0xbc: {  	s0 =	sor.u32 s3, s0;
	s1 =	sshll.u32 s1, $0x11  }
0xbd: {  	s0 =	sor.u32 s1, s0  }
0xbe: {  	s0 =	sadd.s32 $0x8F2B, s0  }
0xbf: {  	[sflag:s0] =	ssyncadd.remote.s32 $0x1  }
0xc0: {  	_ =	sfence.sel $0xFFFF  }
0xc1: {  	[dreg:$0x0] =	wrdreg $0xFFFFFFFF;
	(pc) =	sbr.abs _section_cstart, $3  }
0xc2: {  	[dreg:$0x1] =	wrdreg $0xFFFFFFFF  }
0xc3: {  	_ =	task.clear_ibuf [dreg:s8], $0x2FFFF;
	_ =	strace $0x9FFFFFFF  }
0xc4: {  	(tm) =	ssettm $0x7FFFFFFF  }
0xc5: {  	_ =	shalt  }
tec
execute0_lowered:
.L_overlay_start_1:
0x0: {  	(tag) =	ssettag $0x1  }
0x1: {  	s1 =	srdreg.scid;
	s7 =	rddreg [dreg:$0x1]  }
0x2: {  	s0 =	stileid.u32;
	s4 =	rddreg [dreg:$0x2];
	s6 =	sand.u32 $0x1, s1  }
0x3: {  	s5 =	simm.s32 $0x0;
	s3 =	sshll.u32 s0, $0x2;
	s2 =	sshll.u32 s6, $0x6  }
0x4: {  	s8 =	simm.s32 $0x1;
	s28 =	sand.u32 $0x1, s0;
	s3 =	sor.u32 s3, s2  }
0x5: {  	s11 =	simm.s32 $0x8000;
	p1 =	seq.s32 s28, $0x1;
	p0 =	seq.s32 s3, $0x0  }
0x6: {  	s12 =	simm.s32 $0x200;
	s1 =	rddreg [dreg:$0x0];
	p0 =	por !p0, !p1  }
0x7: {  	s13 =	simm.s32 $0x0;
	[smem:$0x7FF] =	sst s5;
	p0 =	por !p0, !p0  }
0x8: {  	s29 =	sshll.u32 s0, $0xE;
	s9 =	sshrl.u32 s3, $0x3;
	s8 =	simm.s32 @!p0 $0x0  }
0x9: {  	s10 =	ssub.s32 $0x2, s6;
	s6 =	sadd.s32 $0x400, s7;
	s8 =	ssub.s32 s9, s8  }
0xa: {  	s7 =	simm.s32 $0x1;
	s9 =	sand.u32 $0x4000, s29;
	s8 =	sshll.u32 s8, $0x12  }
0xb: {  	v0 =	vimm.s32 $0x0;
	v1 =	vimm.s32 $0x8;
	s2 =	rddreg [dreg:$0x3];
	s30 =	sshrl.u32 s10, $0x1;
	s8 =	sor.u32 s9, s8  }
0xc: {  	v2 =	vimm.s32 $0x10;
	v3 =	vimm.s32 $0x18;
	v4 =	vimm.s32 $0x20;
	_ =	strace $0x80000047;
	s31 =	ssub.s32 s10, s30;
	s8 =	sshrl.u32 s8, $0x3  }
0xd: {  	v5 =	vimm.s32 $0x28;
	v6 =	vimm.s32 $0x30;
	v7 =	vimm.s32 $0x38;
	s10 =	simm.s32 $0x1000;
	s9 =	smax.u32 s31, $0x1;
	s8 =	sadd.s32 s1, s8  }
.LBB2_1:
0xe: {  	[tilespmem:s5], [sflag:$0x1] =	stream.linear.gather [hbm4b:s6+s5], $0x200, $0x38;
	[tilespmem:$0x11E00] =	vst v63  }
0xf: {  	_ =	swait.ge [sflag:s7], $0x200  }
0x10: {  	[sflag:s7] =	ssyncset.done $0x0  }
0x11: {  	s15 =	simm.s32 $0x0;
	s14 =	simm.s32 $0x0;
	[sflag:s7] =	ssyncadd.s32 $0xFFFFFE00  }
0x12: {  	s16 =	simm.s32 $0x0;
	s17 =	simm.s32 $0x0;
	_ =	strace $0x80000048  }
0x13: {  	[tilespmem:s12], [sflag:$0x2] =	stream.strided.gather [hbm4b:s8+s10], $0x8000, s11, s10, $0x200038;
	[tilespmem:$0x11E00] =	vst v63  }
0x14: {  	s18 =	simm.s32 $0x1;
	s19 =	simm.s32 $0x0;
	_ =	strace $0x90000048  }
.LBB2_2:
0x15: {  	s21 =	sadd.s32 s3, s15  }
0x16: {  	s22 =	sadd.s32 $0xFFFFFFFF, s15;
	p1 =	seq.s32 s15, $0x0;
	s15 =	sadd.s32 $0x1, s15  }
0x17: {  	p0 =	seq.s32 s15, $0x4  }
0x18: {  	s15 =	simm.s32 @p0 $0x0  }
0x19: {  	s20 =	sshra.s32 s21, $0x1F;
	s23 =	sadd.s32 s3, s15  }
0x1a: {  	s20 =	sshrl.u32 s20, $0x1D;
	s24 =	sshra.s32 s23, $0x1F  }
0x1b: {  	s20 =	sadd.s32 s20, s21;
	s24 =	sshrl.u32 s24, $0x1D  }
0x1c: {  	s25 =	sshra.s32 s20, $0x3;
	s20 =	sand.u32 $0xFFFFFFF8, s20;
	s24 =	sadd.s32 s24, s23  }
0x1d: {  	p5 =	slt.s32 s21, $0x1;
	p2 =	sne.s32 s21, s20;
	s31 =	sand.u32 $0xFFFFFFF8, s24  }
0x1e: {  	p6 =	slt.s32 s23, $0x1;
	p0 =	por !p5, !p2;
	p3 =	sne.s32 s23, s31  }
0x1f: {  	s20 =	simm.s32 $0x1;
	p0 =	por !p0, !p0;
	p2 =	por !p6, !p3  }
0x20: {  	s26 =	simm.s32 $0x1;
	s20 =	simm.s32 @!p0 $0x0;
	p0 =	por !p2, !p2  }
0x21: {  	s21 =	sand.u32 $0x7, s21;
	s24 =	sshra.s32 s24, $0x3;
	s26 =	simm.s32 @!p0 $0x0  }
0x22: {  	s23 =	sand.u32 $0x7, s23;
	s20 =	ssub.s32 s25, s20;
	s24 =	ssub.s32 s24, s26  }
0x23: {  	p5 =	sne.s32 s21, s23;
	p4 =	sne.s32 s20, s24  }
0x24: {  	p6 =	sne.s32 s19, $0x3;
	p0 =	por p5, p4  }
0x25: {  	s22 =	simm.s32 @p1 $0x3;
	p2 =	por !p6, !p0  }
0x26: {  	s22 =	sadd.s32 s3, s22;
	p2 =	por !p2, !p2  }
0x27: {  	s24 =	sshll.u32 @p2 s24, $0x12;
	s23 =	sshll.u32 @p2 s23, $0xC;
	s25 =	sand.u32 @p2 $0x1, s18  }
0x28: {  	_ =	strace @p2 $0x80000049;
	s26 =	simm.s32 @p2 $0x1000;
	s23 =	sor.u32 @p2 s23, s24  }
0x29: {  	s28 =	simm.s32 @p2 $0x8000;
	s24 =	sshll.u32 @p2 s25, $0xF;
	s23 =	sshrl.u32 @p2 s23, $0x3  }
0x2a: {  	s25 =	sor.u32 @p2 $0x2, s25;
	s24 =	sor.u32 @p2 $0x200, s24;
	s23 =	sadd.s32 @p2 s1, s23  }
0x2b: {  	[tilespmem:s24], [sflag:s25] =	stream.strided.gather @p2 [hbm4b:s23+s26], $0x8000, s28, s26, $0x200038;
	[tilespmem:$0x11E00] =	vst v63  }
0x2c: {  	s25 =	sshra.s32 s22, $0x1F  }
0x2d: {  	s23 =	sshrl.u32 s25, $0x1D  }
0x2e: {  	s23 =	sadd.s32 s23, s22  }
0x2f: {  	s26 =	sand.u32 $0xFFFFFFF8, s23  }
0x30: {  	p3 =	slt.s32 s22, $0x1;
	p4 =	sne.s32 s22, s26  }
0x31: {  	p1 =	por !p3, !p4  }
0x32: {  	s24 =	simm.s32 $0x1;
	p1 =	por !p1, !p1  }
0x33: {  	s23 =	sshra.s32 s23, $0x3;
	s24 =	simm.s32 @!p1 $0x0  }
0x34: {  	s22 =	sand.u32 $0x7, s22;
	s23 =	ssub.s32 s23, s24  }
0x35: {  	p6 =	sne.s32 s21, s22;
	p5 =	sne.s32 s20, s23  }
0x36: {  	p4 =	seq.s32 s19, $0x0;
	p1 =	por p6, p5  }
0x37: {  	p3 =	por p4, p1  }
0x38: {  	_ =	strace @p2 $0x90000049;
	s22 =	sand.u32 @p3 $0x1, s17  }
0x39: {  	_ =	strace @p3 $0x8000004A;
	s22 =	sor.u32 @p3 $0x2, s22  }
0x3a: {  	_ =	swait.ge @p3 [sflag:s22], $0x8000  }
0x3b: {  	s23 =	sand.u32 $0x1, s16;
	[sflag:s22] =	ssyncset.done @p3 $0x0  }
0x3c: {  	s30 =	smul.u32 $0x3800, s23;
	[sflag:s22] =	ssyncadd.s32 @p3 $0xFFFF8000;
	s22 =	simm.s32 $0x1  }
0x3d: {  	s29 =	simm.s32 $0x0;
	s31 =	sshll.u32 s17, $0xF;
	s22 =	simm.s32 @!p2 $0x0  }
0x3e: {  	s25 =	sand.u32 $0x8000, s31;
	s18 =	sadd.s32 s22, s18;
	s22 =	sshrl.u32 s30, $0x2  }
0x3f: {  	s25 =	sor.u32 $0x200, s25;
	_ =	strace @p3 $0x9000004A;
	s24 =	sadd.s32 $0x10200, s22  }
0x40: {  	s26 =	simm.s32 $0x0;
	_ =	strace $0x8000004B;
	s28 =	smov.u32 s24  }
.LBB2_3:
0x41: {  	s31 =	sand.u32 $0xC00, s26  }
0x42: {  	s30 =	sand.u32 $0x70, s29;
	s31 =	sadd.s32 s31, s25  }
0x43: {  	s31 =	sadd.s32 s30, s31  }
0x44: {  	v8 =	vld [tilespmem:s31+$0x0]  }
0x45: {  	v9 =	vld [tilespmem:s31+$0x80]  }
0x46: {  	v10 =	vld [tilespmem:s31+$0x100]  }
0x47: {  	v11 =	vld [tilespmem:s31+$0x180]  }
0x48: {  	v12 =	vld [tilespmem:s31+$0x200]  }
0x49: {  	v13 =	vld [tilespmem:s31+$0x280]  }
0x4a: {  	v14 =	vld [tilespmem:s31+$0x300]  }
0x4b: {  	v16 =	vld [tilespmem:s31+$0x1000]  }
0x4c: {  	v17 =	vld [tilespmem:s31+$0x1080]  }
0x4d: {  	v21 =	vld [tilespmem:s31+$0x2000]  }
0x4e: {  	v37 =	vld [tilespmem:s31+$0x2080]  }
0x4f: {  	v15 =	vld [tilespmem:s31+$0x380]  }
0x50: {  	v18 =	vld [tilespmem:s31+$0x1100]  }
0x51: {  	v34 =	vld [tilespmem:s31+$0x1180]  }
0x52: {  	v19 =	vld [tilespmem:s31+$0x1200];
	vm0 =	vgt.f32 v9, v8  }
0x53: {  	v35 =	vld [tilespmem:s31+$0x1280];
	vm6 =	vgt.f32 v17, v16;
	vm13 =	vgt.f32 v37, v21;
	v8 =	vsel vm0, v9, v8  }
0x54: {  	v20 =	vld [tilespmem:s31+$0x1300];
	v22 =	vsel vm0, $0x1, v0;
	v16 =	vsel vm6, v17, v16;
	vm1 =	vgt.f32 v10, v8  }
0x55: {  	v36 =	vld [tilespmem:s31+$0x1380];
	v43 =	vsel vm6, $0x9, v1;
	vm8 =	vgt.f32 v18, v16;
	v8 =	vsel vm1, v10, v8  }
0x56: {  	v38 =	vld [tilespmem:s31+$0x2100];
	v24 =	vsel vm13, $0x11, v2;
	v16 =	vsel vm8, v18, v16;
	vm2 =	vgt.f32 v11, v8  }
0x57: {  	v39 =	vld [tilespmem:s31+$0x2180];
	v22 =	vsel vm1, $0x2, v22;
	vm10 =	vgt.f32 v34, v16;
	v8 =	vsel vm2, v11, v8  }
0x58: {  	v40 =	vld [tilespmem:s31+$0x2200];
	v22 =	vsel vm2, $0x3, v22;
	v16 =	vsel vm10, v34, v16;
	vm3 =	vgt.f32 v12, v8  }
0x59: {  	v41 =	vld [tilespmem:s31+$0x2280];
	vm12 =	vgt.f32 v19, v16;
	v8 =	vsel vm3, v12, v8;
	v22 =	vsel vm3, $0x4, v22  }
0x5a: {  	v52 =	vld [tilespmem:s31+$0x4000];
	v16 =	vsel vm12, v19, v16;
	v12 =	vsel vm13, v37, v21;
	vm7 =	vgt.f32 v13, v8  }
0x5b: {  	v53 =	vld [tilespmem:s31+$0x4080];
	vm14 =	vgt.f32 v35, v16;
	vm15 =	vgt.f32 v38, v12;
	v8 =	vsel vm7, v13, v8  }
0x5c: {  	v23 =	vld [tilespmem:s31+$0x2300];
	v22 =	vsel vm7, $0x5, v22;
	v10 =	vsel vm14, v35, v16;
	v12 =	vsel vm15, v38, v12  }
0x5d: {  	v44 =	vld [tilespmem:s31+$0x3000];
	v24 =	vsel vm15, $0x12, v24;
	vm9 =	vgt.f32 v14, v8;
	vm6 =	vgt.f32 v20, v10  }
0x5e: {  	v54 =	vld [tilespmem:s31+$0x4100];
	vm7 =	vgt.f32 v39, v12;
	v8 =	vsel vm9, v14, v8;
	v22 =	vsel vm9, $0x6, v22  }
0x5f: {  	v45 =	vld [tilespmem:s31+$0x3080];
	v10 =	vsel vm6, v20, v10;
	v12 =	vsel vm7, v39, v12;
	v24 =	vsel vm7, $0x13, v24  }
0x60: {  	v42 =	vld [tilespmem:s31+$0x2380];
	vm7 =	vgt.f32 v53, v52;
	vm11 =	vgt.f32 v15, v8;
	vm9 =	vgt.f32 v40, v12  }
0x61: {  	v46 =	vld [tilespmem:s31+$0x3100];
	v14 =	vsel vm7, v53, v52;
	v29 =	vsel vm7, $0x21, v4;
	v9 =	vsel vm11, v15, v8  }
0x62: {  	v55 =	vld [tilespmem:s31+$0x4180];
	v8 =	vsel vm11, $0x7, v22;
	v22 =	vsel vm8, $0xA, v43;
	vm8 =	vgt.f32 v36, v10  }
0x63: {  	v47 =	vld [tilespmem:s31+$0x3180];
	v12 =	vsel vm9, v40, v12;
	v24 =	vsel vm9, $0x14, v24;
	vm9 =	vgt.f32 v54, v14  }
0x64: {  	v48 =	vld [tilespmem:s31+$0x3200];
	v22 =	vsel vm10, $0xB, v22;
	v11 =	vsel vm8, v36, v10;
	vm10 =	vgt.f32 v45, v44  }
0x65: {  	v49 =	vld [tilespmem:s31+$0x3280];
	vm11 =	vgt.f32 v41, v12;
	v14 =	vsel vm9, v54, v14;
	v18 =	vsel vm9, $0x22, v29  }
0x66: {  	v56 =	vld [tilespmem:s31+$0x4200];
	v22 =	vsel vm12, $0xC, v22;
	v19 =	vsel vm10, v45, v44;
	v12 =	vsel vm11, v41, v12  }
0x67: {  	v50 =	vld [tilespmem:s31+$0x3300];
	v24 =	vsel vm11, $0x15, v24;
	v25 =	vsel vm10, $0x19, v3;
	vm11 =	vgt.f32 v55, v14  }
0x68: {  	v57 =	vld [tilespmem:s31+$0x4280];
	v22 =	vsel vm14, $0xD, v22;
	vm12 =	vgt.f32 v46, v19;
	vm13 =	vgt.f32 v23, v12  }
0x69: {  	v60 =	vld [tilespmem:s31+$0x5000];
	v14 =	vsel vm11, v55, v14;
	v18 =	vsel vm11, $0x23, v18;
	v22 =	vsel vm6, $0xE, v22  }
0x6a: {  	v61 =	vld [tilespmem:s31+$0x5080];
	v16 =	vsel vm12, v46, v19;
	v12 =	vsel vm13, v23, v12;
	v24 =	vsel vm13, $0x16, v24  }
0x6b: {  	v51 =	vld [tilespmem:s31+$0x3380];
	v25 =	vsel vm12, $0x1A, v25;
	vm13 =	vgt.f32 v56, v14;
	v10 =	vsel vm8, $0xF, v22  }
0x6c: {  	v58 =	vld [tilespmem:s31+$0x4300];
	vm14 =	vgt.f32 v47, v16;
	vm15 =	vgt.f32 v42, v12;
	v14 =	vsel vm13, v56, v14  }
0x6d: {  	v59 =	vld [tilespmem:s31+$0x4380];
	v18 =	vsel vm13, $0x24, v18;
	v16 =	vsel vm14, v47, v16;
	v15 =	vsel vm15, v42, v12  }
0x6e: {  	v62 =	vld [tilespmem:s31+$0x5100];
	v12 =	vsel vm15, $0x17, v24;
	v25 =	vsel vm14, $0x1B, v25;
	vm14 =	vgt.f32 v57, v14  }
0x6f: {  	v63 =	vld [tilespmem:s31+$0x5180];
	vm15 =	vgt.f32 v61, v60;
	vm6 =	vgt.f32 v48, v16;
	v14 =	vsel vm14, v57, v14  }
0x70: {  	v26 =	vld [tilespmem:s31+$0x6000];
	v18 =	vsel vm14, $0x25, v18;
	v37 =	vsel vm15, $0x29, v5;
	v16 =	vsel vm6, v48, v16  }
0x71: {  	v30 =	vld [tilespmem:s31+$0x6080];
	v25 =	vsel vm6, $0x1C, v25;
	vm7 =	vgt.f32 v58, v14;
	vm8 =	vgt.f32 v49, v16  }
0x72: {  	v27 =	vld [tilespmem:s31+$0x5200];
	v14 =	vsel vm7, v58, v14;
	v18 =	vsel vm7, $0x26, v18;
	v13 =	vsel vm8, v49, v16  }
0x73: {  	v31 =	vld [tilespmem:s31+$0x6100];
	v25 =	vsel vm8, $0x1D, v25;
	v16 =	vsel vm15, v61, v60;
	vm9 =	vgt.f32 v59, v14  }
0x74: {  	v32 =	vld [tilespmem:s31+$0x5280];
	vm10 =	vgt.f32 v50, v13;
	vm8 =	vgt.f32 v62, v16;
	v14 =	vsel vm9, v59, v14  }
0x75: {  	v33 =	vld [tilespmem:s31+$0x6180];
	v18 =	vsel vm9, $0x27, v18;
	v13 =	vsel vm10, v50, v13;
	v25 =	vsel vm10, $0x1E, v25  }
0x76: {  	v40 =	vld [tilespmem:s31+$0x7000];
	v16 =	vsel vm8, v62, v16;
	vm10 =	vgt.f32 v30, v26;
	vm12 =	vgt.f32 v51, v13  }
0x77: {  	v42 =	vld [tilespmem:s31+$0x7080];
	vm4 =	vgt.f32 v63, v16;
	v17 =	vsel vm10, v30, v26;
	v26 =	vsel vm8, $0x2A, v37  }
0x78: {  	v34 =	vld [tilespmem:s31+$0x5300];
	v28 =	vsel vm10, $0x31, v6;
	v13 =	vsel vm12, v51, v13;
	v25 =	vsel vm12, $0x1F, v25  }
0x79: {  	v35 =	vld [tilespmem:s31+$0x6200];
	v16 =	vsel vm4, v63, v16;
	vm5 =	vgt.f32 v31, v17;
	v26 =	vsel vm4, $0x2B, v26  }
0x7a: {  	v45 =	vld [tilespmem:s31+$0x7100];
	vm11 =	vgt.f32 v27, v16;
	v17 =	vsel vm5, v31, v17;
	v47 =	vsel vm5, $0x32, v28  }
0x7b: {  	v38 =	vld [tilespmem:s31+$0x6280];
	v16 =	vsel vm11, v27, v16;
	vm13 =	vgt.f32 v33, v17;
	v41 =	vsel vm11, $0x2C, v26  }
0x7c: {  	v36 =	vld [tilespmem:s31+$0x5380];
	vm11 =	vgt.f32 v42, v40;
	vm12 =	vgt.f32 v32, v16;
	v17 =	vsel vm13, v33, v17  }
0x7d: {  	v48 =	vld [tilespmem:s31+$0x7180];
	v22 =	vsel vm13, $0x33, v47;
	v20 =	vsel vm11, v42, v40;
	v54 =	vsel vm11, $0x39, v7  }
0x7e: {  	v16 =	vsel vm12, v32, v16;
	vm15 =	vgt.f32 v35, v17;
	v24 =	vsel vm12, $0x2D, v41  }
0x7f: {  	vm13 =	vgt.f32 v45, v20;
	vm14 =	vgt.f32 v34, v16;
	v17 =	vsel vm15, v35, v17  }
0x80: {  	v39 =	vld [tilespmem:s31+$0x6300];
	v22 =	vsel vm15, $0x34, v22;
	v20 =	vsel vm13, v45, v20;
	v55 =	vsel vm13, $0x3A, v54  }
0x81: {  	v49 =	vld [tilespmem:s31+$0x7200];
	v16 =	vsel vm14, v34, v16;
	v44 =	vsel vm14, $0x2E, v24;
	vm9 =	vgt.f32 v38, v17  }
0x82: {  	vm14 =	vgt.f32 v11, v9;
	vm15 =	vgt.f32 v48, v20;
	vm8 =	vgt.f32 v36, v16  }
0x83: {  	v43 =	vld [tilespmem:s31+$0x6380];
	v17 =	vsel vm9, v38, v17;
	v50 =	vsel vm9, $0x35, v22;
	v9 =	vsel vm14, v11, v9  }
0x84: {  	v51 =	vld [tilespmem:s31+$0x7280];
	v20 =	vsel vm15, v48, v20;
	v8 =	vsel vm14, v10, v8;
	v16 =	vsel vm8, v36, v16  }
0x85: {  	v46 =	vsel vm8, $0x2F, v44;
	vm10 =	vgt.f32 v39, v17;
	vm6 =	vgt.f32 v15, v9  }
0x86: {  	vm7 =	vgt.f32 v49, v20;
	v17 =	vsel vm10, v39, v17;
	v21 =	vsel vm10, $0x36, v50  }
0x87: {  	v53 =	vld [tilespmem:s31+$0x7300];
	v9 =	vsel vm6, v15, v9;
	v20 =	vsel vm7, v49, v20;
	v15 =	vsel vm15, $0x3B, v55  }
0x88: {  	v8 =	vsel vm6, v12, v8;
	vm12 =	vgt.f32 v43, v17;
	vm8 =	vgt.f32 v13, v9  }
0x89: {  	v56 =	vld [tilespmem:s31+$0x7380];
	vm9 =	vgt.f32 v51, v20;
	v15 =	vsel vm7, $0x3C, v15;
	v9 =	vsel vm8, v13, v9  }
0x8a: {  	v17 =	vsel vm12, v43, v17;
	v52 =	vsel vm12, $0x37, v21;
	vm10 =	vgt.f32 v14, v9  }
0x8b: {  	v20 =	vsel vm9, v51, v20;
	v15 =	vsel vm9, $0x3D, v15;
	v9 =	vsel vm10, v14, v9  }
0x8c: {  	v8 =	vsel vm8, v25, v8;
	vm11 =	vgt.f32 v53, v20;
	vm12 =	vgt.f32 v16, v9  }
0x8d: {  	v10 =	vsel vm11, v53, v20;
	v57 =	vsel vm11, $0x3E, v15;
	v9 =	vsel vm12, v16, v9  }
0x8e: {  	v8 =	vsel vm10, v18, v8;
	vm13 =	vgt.f32 v56, v10;
	vm14 =	vgt.f32 v17, v9  }
0x8f: {  	v8 =	vsel vm12, v46, v8;
	v10 =	vsel vm13, v56, v10;
	v9 =	vsel vm14, v17, v9  }
0x90: {  	v12 =	vsel vm13, $0x3F, v57;
	v8 =	vsel vm14, v52, v8;
	vm15 =	vgt.f32 v10, v9  }
0x91: {  	v8 =	vsel vm15, v12, v8;
	_ =	sdelay $0x4  }
0x92: {  	v58 =	vld.idx.msk [tilespmem:v8+s5+$0x0], $0xffff  }
0x93: {  	v59 =	vadd.s32 $0x40, v8;
	_ =	sdelay $0x3  }
0x94: {  	[tilespmem:s28+$0x0] =	vst v58  }
0x95: {  	v9 =	vld.idx.msk [tilespmem:v59+s5+$0x0], $0xffff  }
0x96: {  	v60 =	vor.u32 $0x80, v8  }
0x97: {  	s31 =	sand.u32 $0x180, s29  }
0x98: {  	s31 =	sadd.s32 s31, s24  }
0x99: {  	s30 =	sadd.s32 s30, s31  }
0x9a: {  	[tilespmem:s30+$0x200] =	vst v9  }
0x9b: {  	v9 =	vld.idx.msk [tilespmem:v60+s5+$0x0], $0xffff  }
0x9c: {  	v61 =	vadd.s32 $0xC0, v8;
	_ =	sdelay $0x3  }
0x9d: {  	[tilespmem:s30+$0x400] =	vst v9  }
0x9e: {  	v9 =	vld.idx.msk [tilespmem:v61+s5+$0x0], $0xffff  }
0x9f: {  	v62 =	vor.u32 $0x100, v8;
	_ =	sdelay $0x3  }
0xa0: {  	[tilespmem:s30+$0x600] =	vst v9  }
0xa1: {  	v9 =	vld.idx.msk [tilespmem:v62+s5+$0x0], $0xffff  }
0xa2: {  	v63 =	vadd.s32 $0x140, v8;
	_ =	sdelay $0x3  }
0xa3: {  	[tilespmem:s30+$0x800] =	vst v9  }
0xa4: {  	v9 =	vld.idx.msk [tilespmem:v63+s5+$0x0], $0xffff  }
0xa5: {  	v8 =	vor.u32 $0x180, v8;
	_ =	sdelay $0x3  }
0xa6: {  	[tilespmem:s30+$0xA00] =	vst v9  }
0xa7: {  	p2 =	sne.s32 s29, $0x1F0;
	v8 =	vld.idx.msk [tilespmem:v8+s5+$0x0], $0xffff  }
.Ltmp0:
0xa8: {  	_ = 	snop;
	(pc) =	sbr.rel @p2 .LBB2_3-.Ltmp0, $2  }
0xa9: {  	_ =	sdelay $0x2  }
0xaa: {  	s26 =	sadd.s32 $0x80, s26;
	s29 =	sadd.s32 $0x10, s29;
	s28 =	sadd.s32 $0x10, s28;
	[tilespmem:s30+$0xC00] =	vst v8  }
0xab: {  	p2 =	seq.s32 s19, $0x3  }
0xac: {  	p0 =	por p2, p0  }
0xad: {  	s25 =	sand.u32 @p0 $0xFFFF8, s20  }
0xae: {  	s20 =	sshll.u32 @p0 s20, $0x7;
	s21 =	sor.u32 @p0 s21, s25  }
0xaf: {  	s20 =	sand.u32 @p0 $0x380, s20;
	s21 =	sshll.u32 @p0 s21, $0xC  }
0xb0: {  	_ =	strace $0x9000004B;
	s20 =	sor.u32 @p0 s20, s21  }
0xb1: {  	_ =	strace @p0 $0x8000004C;
	s25 =	simm.s32 @p0 $0x400;
	s20 =	sshrl.u32 @p0 s20, $0x3  }
0xb2: {  	s21 =	sor.u32 @p0 $0x4, s23;
	s23 =	simm.s32 @p0 $0x80;
	s20 =	sadd.s32 @p0 s4, s20  }
0xb3: {  	[hbm4b:s20+s23] =	stream.strided.scatter @p0 [tilespmem:s24], [sflag:s21], $0x200, s25, s23, $0x200038;
	[tilespmem:$0x11E00] =	vst v63  }
0xb4: {  	s24 =	sadd.s32 @p0 $0x10400, s22;
	s26 =	sadd.s32 @p0 $0x2000, s20  }
0xb5: {  	[hbm4b:s26+s23] =	stream.strided.scatter @p0 [tilespmem:s24], [sflag:s21], $0x200, s25, s23, $0x200038;
	[tilespmem:$0x11E00] =	vst v63  }
0xb6: {  	s24 =	sadd.s32 @p0 $0x10600, s22;
	s26 =	sadd.s32 @p0 $0x4000, s20  }
0xb7: {  	[hbm4b:s26+s23] =	stream.strided.scatter @p0 [tilespmem:s24], [sflag:s21], $0x200, s25, s23, $0x200038;
	[tilespmem:$0x11E00] =	vst v63  }
0xb8: {  	s24 =	sadd.s32 @p0 $0x10800, s22;
	s26 =	sadd.s32 @p0 $0x6000, s20  }
0xb9: {  	[hbm4b:s26+s23] =	stream.strided.scatter @p0 [tilespmem:s24], [sflag:s21], $0x200, s25, s23, $0x200038;
	[tilespmem:$0x11E00] =	vst v63  }
0xba: {  	p6 =	sne.s32 s19, $0x0;
	s24 =	sadd.s32 @p0 $0x10A00, s22;
	s26 =	sadd.s32 @p0 $0x8000, s20  }
0xbb: {  	[hbm4b:s26+s23] =	stream.strided.scatter @p0 [tilespmem:s24], [sflag:s21], $0x200, s25, s23, $0x200038;
	[tilespmem:$0x11E00] =	vst v63  }
0xbc: {  	p1 =	por !p6, !p1;
	s24 =	sadd.s32 @p0 $0x10C00, s22;
	s26 =	sadd.s32 @p0 $0xA000, s20  }
0xbd: {  	[hbm4b:s26+s23] =	stream.strided.scatter @p0 [tilespmem:s24], [sflag:s21], $0x200, s25, s23, $0x200038;
	[tilespmem:$0x11E00] =	vst v63  }
0xbe: {  	p1 =	por !p1, !p1;
	s22 =	sadd.s32 @p0 $0x10E00, s22;
	s20 =	sadd.s32 @p0 $0xC000, s20  }
0xbf: {  	[hbm4b:s20+s23] =	stream.strided.scatter @p0 [tilespmem:s22], [sflag:s21], $0x200, s25, s23, $0x200038;
	[tilespmem:$0x11E00] =	vst v63  }
0xc0: {  	s19 =	sadd.s32 $0x1, s19;
	s20 =	simm.s32 $0x1;
	s21 =	sand.u32 @p1 $0x1, s14  }
0xc1: {  	_ =	strace @p0 $0x9000004C;
	s20 =	simm.s32 @!p0 $0x0;
	p0 =	sne.s32 s19, $0x4  }
.Ltmp1:
0xc2: {  	s21 =	sor.u32 @p1 $0x4, s21;
	_ =	strace @p1 $0x8000004D;
	(pc) =	sbr.rel @p0 .LBB2_2-.Ltmp1, $4  }
0xc3: {  	_ =	swait.ge @p1 [sflag:s21], $0xE00  }
0xc4: {  	s22 =	simm.s32 $0x1;
	[sflag:s21] =	ssyncset.done @p1 $0x0  }
0xc5: {  	s22 =	simm.s32 @!p1 $0x0;
	s16 =	sadd.s32 s20, s16;
	[sflag:s21] =	ssyncadd.s32 @p1 $0xFFFFF200  }
0xc6: {  	s14 =	sadd.s32 s22, s14;
	s17 =	sadd.s32 s20, s17;
	_ =	strace @p1 $0x9000004D  }
0xc7: {  	s13 =	sadd.s32 $0x1, s13  }
0xc8: {  	s14 =	sand.u32 $0x1, s14;
	p0 =	sne.s32 s13, s9  }
.Ltmp2:
0xc9: {  	_ =	strace $0x8000004E;
	s14 =	sor.u32 $0x4, s14;
	(pc) =	sbr.rel @p0 .LBB2_1-.Ltmp2, $4  }
0xca: {  	_ =	swait.ge [sflag:s14], $0xE00  }
0xcb: {  	[sflag:s14] =	ssyncset.done $0x0  }
0xcc: {  	[sflag:s14] =	ssyncadd.s32 $0xFFFFF200  }
0xcd: {  	_ =	strace $0x9000004E  }
0xce: {  	_ =	sfence.sel $0x180000  }
0xcf: {  	[bflag:$0x0] =	sbarrier.arrive $0xFFFF  }
0xd0: {  	p0 =	sne.s32 s0, $0x0;
	_ =	strace $0x90000047  }
0xd1: {  	s0 =	sadd.s32 @!p0 $0x100000, s2;
	[bflag:$0x2] =	sbarrier.arrive $0xFFFF  }
0xd2: {  	[sflag:s0] =	ssyncadd.tile.s32 @!p0 $0x1;
	_ =	shalt  }
.Lfunc_end2:
_tile_overlayer_lowered:
.L_overlay_start_2:
0xd3: {  	(tag) =	ssettag $0x2  }
0xd4: {  	s0 =	rddreg [dreg:$0x0];
	s2 =	stileid.u32  }
0xd5: {  	s1 =	rddreg [dreg:$0x1];
	p0 =	sne.s32 s2, $0x0  }
0xd6: {  	s3 =	rddreg [dreg:$0x2];
	[bflag:$0x3] =	sbarrier.arrive $0xFFFF;
	s2 =	simm.s32 @!p0 $0x1C02  }
0xd7: {  	[timem:s3], [sflag:s2] =	dma.local @!p0 [hbm:s0], s1  }
0xd8: {  	s0 =	simm.s32 @!p0 $0x2  }
0xd9: {  	_ =	swait.ge @!p0 [sflag:s0], s1  }
0xda: {  	s1 =	ssub.s32 @!p0 $0x0, s1;
	[sflag:s0] =	ssyncset.done @!p0 $0x0  }
0xdb: {  	[sflag:s0] =	ssyncadd.s32 @!p0 s1  }
0xdc: {  	[bflag:$0x3] =	sbarrier.arrive $0xFFFF  }
0xdd: {  	_ =	shalt  }

</sc_bundles>
